<compile_context>
chip_gen: v7x
topology: tpu7x:2x2x1
jax: 0.10.2.dev20260603
libtpu: 0.0.44.dev20260713+nightly
codegen_flags: <defaults>
</compile_context>

<pallas_src>
import functools

import jax
import jax.numpy as jnp
from jax import lax
from jax.experimental import pallas as pl
from jax.experimental.pallas import tpu as pltpu
from jax.experimental.pallas import tpu_sc as plsc

VOCAB = 100000
D = 16
BATCH = 1024
SEQ = 200

NC = 2
NS = 16
NW = NC * NS
ROWS_PER_W = BATCH // NW
TOK_PER_W = ROWS_PER_W * SEQ

CH0 = 128
CH1 = SEQ - CH0
NBUF = 16


def _make_kernel():
    mesh = plsc.VectorSubcoreMesh(
        core_axis_name="c", subcore_axis_name="s", num_cores=NC, num_subcores=NS)

    @functools.partial(
        pl.kernel,
        mesh=mesh,
        out_type=jax.ShapeDtypeStruct((BATCH, D), jnp.float32),
        compiler_params=pltpu.CompilerParams(use_tc_tiling_on_sc=False),
        scratch_types=[
            pltpu.VMEM((TOK_PER_W,), jnp.int32),
            pltpu.VMEM((NBUF, SEQ, D), jnp.float32),
            pltpu.VMEM((ROWS_PER_W, D), jnp.float32),
            pltpu.VMEM((D,), jnp.float32),
            pltpu.SemaphoreType.DMA((NBUF,)),
            pltpu.SemaphoreType.DMA,
        ],
    )
    def k(tok_hbm, w_hbm, b_hbm, out_hbm, tok_v, rows_v, out_v, b_v, sem,
          sem2):
        sid = lax.axis_index("s")
        wid = sid * NC + lax.axis_index("c")
        base = wid * ROWS_PER_W
        half = TOK_PER_W // 2
        pltpu.sync_copy(tok_hbm.at[pl.ds(base * SEQ, half)],
                        tok_v.at[pl.ds(0, half)])
        tail_cp = pltpu.make_async_copy(
            tok_hbm.at[pl.ds(base * SEQ + half, half)],
            tok_v.at[pl.ds(half, half)], sem2)
        tail_cp.start()
        bias_cp = pltpu.make_async_copy(b_hbm, b_v, sem2)

        SPLITS = ((0, CH0), (CH0, CH1))

        def fire(r, slot):
            for off, n in SPLITS:
                pltpu.make_async_copy(
                    w_hbm.at[tok_v.at[pl.ds(r * SEQ + off, n)]],
                    rows_v.at[slot, pl.ds(off, n)], sem.at[slot]).start()

        def drain(r, slot):
            for off, n in SPLITS:
                pltpu.make_async_copy(
                    w_hbm.at[tok_v.at[pl.ds(r * SEQ + off, n)]],
                    rows_v.at[slot, pl.ds(off, n)], sem.at[slot]).wait()

        for r0 in range(NBUF):
            fire(r0, r0)
        tail_cp.wait()
        bias_cp.start()
        bias_cp.wait()
        UNROLL = 8

        def row_body(r, carry):
            slot = lax.rem(r, NBUF)
            drain(r, slot)

            @pl.when(r + NBUF < ROWS_PER_W)
            def _():
                fire(r + NBUF, slot)

            def acc_body(j, accs):
                jj = j * UNROLL
                return tuple(
                    accs[u] + rows_v[slot, jj + u] for u in range(UNROLL))

            zero = jnp.zeros((D,), jnp.float32)
            accs = (b_v[...],) + (zero,) * (UNROLL - 1)
            accs = lax.fori_loop(0, SEQ // UNROLL, acc_body, accs)
            a = accs[0]
            for u in range(1, UNROLL):
                a = a + accs[u]
            out_v[r] = a
            return carry

        lax.fori_loop(0, ROWS_PER_W, row_body, 0)
        pltpu.sync_copy(out_v, out_hbm.at[pl.ds(base, ROWS_PER_W)])

    return k


_kernel = _make_kernel()


def kernel(tokens, W, b):
    return _kernel(tokens.reshape(-1).astype(jnp.int32), W, b)

# --- scband reference (transcript-rebuilt; emitter-appended) ---
"""Pipeline reference for scband-count-vectorizer-35510789604072 (READ-ONLY COPY).

The authoritative reference and input builder live on the scoring server;
editing this copy changes nothing except your own understanding.
"""

import jax, jax.numpy as jnp
import numpy as np

VOCAB = 100000
D_MODEL = 16
BATCH = 1024
SEQ = 200

def setup_inputs(seed: int = 0) -> dict:
    key = jax.random.key(seed)
    k_tok, k_w, k_b = jax.random.split(key, 3)
    tokens = jax.random.randint(k_tok, (BATCH, SEQ), 0, VOCAB, dtype=jnp.int64 if jax.config.jax_enable_x64 else jnp.int32)
    W = jax.random.normal(k_w, (VOCAB, D_MODEL), dtype=jnp.float32) * 0.02
    b = jnp.zeros((D_MODEL,), dtype=jnp.float32)
    return {"tokens": tokens, "W": W, "b": b}

def reference(tokens, W, b):
    # Tokenized equivalent of the original CountVectorizer forward:
    # 1) build per-example bag-of-words count vectors over the vocab (scatter-add)
    # 2) apply the linear projection (nn.LazyLinear -> d_model)
    B, L = tokens.shape
    V = W.shape[0]
    row_ids = jnp.arange(B, dtype=tokens.dtype)[:, None]
    counts = jnp.zeros((B, V), dtype=jnp.float32).at[row_ids, tokens].add(1.0)
    out = counts @ W + b
    return out

if __name__ == "__main__":
    import jax
    _d = setup_inputs()
    print(jax.jit(kernel)(*tuple(_d.values())))

</pallas_src>

<mosaic_0001>
#map = affine_map<(d0, d1) -> (0)>
#map1 = affine_map<(d0, d1) -> (0, 0)>
module attributes {stable_mosaic.version = 14 : i64} {
  func.func @k(%arg0: i32, %arg1: i32, %arg2: memref<204800xi32, #tpu.memory_space<hbm>>, %arg3: memref<100000x16xf32, #tpu.memory_space<hbm>>, %arg4: memref<16xf32, #tpu.memory_space<hbm>>, %arg5: memref<1024x16xf32, #tpu.memory_space<hbm>>, %arg6: memref<6400xi32, #tpu.memory_space<vmem>>, %arg7: memref<16x200x16xf32, #tpu.memory_space<vmem>>, %arg8: memref<32x16xf32, #tpu.memory_space<vmem>>, %arg9: memref<16xf32, #tpu.memory_space<vmem>>, %arg10: memref<16x!tpu.dma_semaphore, #tpu.memory_space<semaphore_mem>>, %arg11: memref<!tpu.dma_semaphore, #tpu.memory_space<semaphore_mem>>) attributes {dimension_semantics = [#tpu.dimension_semantics<core_parallel>, #tpu.dimension_semantics<subcore_parallel>], iteration_bounds = array<i64: 2, 16>, scalar_prefetch = 0 : i64, scratch_operands = 6 : i64, tpu.core_type = #tpu.core_type<sc_vector_subcore>, window_params = [{transform_indices = #map}, {transform_indices = #map1}, {transform_indices = #map}, {transform_indices = #map1}]} {
    %mul3A = arith.constant 2 : i32
    %mul3A_0 = arith.muli %arg1, %mul3A : i32
    %add3A = arith.addi %mul3A_0, %arg0 : i32
    %mul3A_1 = arith.constant 32 : i32
    %mul3A_2 = arith.muli %add3A, %mul3A_1 : i32
    %mul3A_3 = arith.constant 200 : i32
    %mul3A_4 = arith.muli %mul3A_2, %mul3A_3 : i32
    "tpu.region"() ({
      %run_scoped3A = tpu.sem_alloc : memref<!tpu.dma_semaphore, #tpu.memory_space<semaphore_mem>>
      %dma_start3A_440 = arith.constant 0 : i32
      %dma_start3A_441 = tpu.memref_slice %arg6[%dma_start3A_440] : memref<6400xi32, #tpu.memory_space<vmem>> -> memref<3200xi32, #tpu.memory_space<vmem>>
      %dma_start3A_442 = tpu.memref_slice %arg2[%mul3A_4] : memref<204800xi32, #tpu.memory_space<hbm>> -> memref<3200xi32, #tpu.memory_space<hbm>>
      %dma_start3A_443 = arith.constant 0 : i32
      %dma_start3A_444 = tpu.memref_slice %arg6[%dma_start3A_443] : memref<6400xi32, #tpu.memory_space<vmem>> -> memref<3200xi32, #tpu.memory_space<vmem>>
      %dma_start3A_445 = tpu.memref_slice %arg2[%mul3A_4] : memref<204800xi32, #tpu.memory_space<hbm>> -> memref<3200xi32, #tpu.memory_space<hbm>>
      tpu.enqueue_dma source(%dma_start3A_445 : memref<3200xi32, #tpu.memory_space<hbm>>) target(%dma_start3A_444 : memref<3200xi32, #tpu.memory_space<vmem>>) target_semaphore(%run_scoped3A : memref<!tpu.dma_semaphore, #tpu.memory_space<semaphore_mem>>)
      %dma_wait3A_446 = arith.constant 0 : i32
      %dma_wait3A_447 = tpu.memref_slice %arg6[%dma_wait3A_446] : memref<6400xi32, #tpu.memory_space<vmem>> -> memref<3200xi32, #tpu.memory_space<vmem>>
      %dma_wait3A_448 = tpu.memref_slice %arg2[%mul3A_4] : memref<204800xi32, #tpu.memory_space<hbm>> -> memref<3200xi32, #tpu.memory_space<hbm>>
      %dma_wait3A_449 = arith.constant 0 : i32
      %dma_wait3A_450 = tpu.memref_slice %arg6[%dma_wait3A_449] : memref<6400xi32, #tpu.memory_space<vmem>> -> memref<3200xi32, #tpu.memory_space<vmem>>
      %dma_wait3A_451 = tpu.memref_slice %arg2[%mul3A_4] : memref<204800xi32, #tpu.memory_space<hbm>> -> memref<3200xi32, #tpu.memory_space<hbm>>
      tpu.wait_dma2 semaphore(%run_scoped3A : memref<!tpu.dma_semaphore, #tpu.memory_space<semaphore_mem>>) src(%dma_wait3A_451 : memref<3200xi32, #tpu.memory_space<hbm>>) dst(%dma_wait3A_450 : memref<3200xi32, #tpu.memory_space<vmem>>)
      tpu.yield
    }) : () -> ()
    %mul3A_5 = arith.constant 200 : i32
    %mul3A_6 = arith.muli %mul3A_2, %mul3A_5 : i32
    %add3A_7 = arith.constant 3200 : i32
    %add3A_8 = arith.addi %mul3A_6, %add3A_7 : i32
    %dma_start3A = arith.constant 3200 : i32
    %dma_start3A_9 = tpu.memref_slice %arg6[%dma_start3A] : memref<6400xi32, #tpu.memory_space<vmem>> -> memref<3200xi32, #tpu.memory_space<vmem>>
    %dma_start3A_10 = tpu.memref_slice %arg2[%add3A_8] : memref<204800xi32, #tpu.memory_space<hbm>> -> memref<3200xi32, #tpu.memory_space<hbm>>
    %dma_start3A_11 = arith.constant 3200 : i32
    %dma_start3A_12 = tpu.memref_slice %arg6[%dma_start3A_11] : memref<6400xi32, #tpu.memory_space<vmem>> -> memref<3200xi32, #tpu.memory_space<vmem>>
    %dma_start3A_13 = tpu.memref_slice %arg2[%add3A_8] : memref<204800xi32, #tpu.memory_space<hbm>> -> memref<3200xi32, #tpu.memory_space<hbm>>
    tpu.enqueue_dma source(%dma_start3A_13 : memref<3200xi32, #tpu.memory_space<hbm>>) target(%dma_start3A_12 : memref<3200xi32, #tpu.memory_space<vmem>>) target_semaphore(%arg11 : memref<!tpu.dma_semaphore, #tpu.memory_space<semaphore_mem>>)
    %dma_start3A_14 = arith.constant 0 : i32
    %dma_start3A_15 = arith.constant 0 : i32
    %dma_start3A_16 = arith.constant 0 : i32
    %dma_start3A_17 = arith.constant 0 : i32
    %dma_start3A_18 = tpu.memref_slice %arg7[%dma_start3A_14, %dma_start3A_16, %dma_start3A_17] : memref<16x200x16xf32, #tpu.memory_space<vmem>> -> memref<1x128x16xf32, #tpu.memory_space<vmem>>
    %dma_start3A_19 = tpu.memref_squeeze %dma_start3A_18 : memref<1x128x16xf32, #tpu.memory_space<vmem>> -> memref<128x16xf32, #tpu.memory_space<vmem>>
    %dma_start3A_20 = arith.constant 0 : i32
    %dma_start3A_21 = tpu.memref_slice %arg6[%dma_start3A_20] : memref<6400xi32, #tpu.memory_space<vmem>> -> memref<128xi32, #tpu.memory_space<vmem>>
    %dma_start3A_22 = arith.constant 0 : i32
    %dma_start3A_23 = arith.constant 0 : i32
    %dma_start3A_24 = tpu.memref_slice %arg3[%dma_start3A_22, %dma_start3A_23] : memref<100000x16xf32, #tpu.memory_space<hbm>> -> memref<100000x16xf32, #tpu.memory_space<hbm>>
    %dma_start3A_25 = tpu.memref_slice %arg10[%dma_start3A_15] : memref<16x!tpu.dma_semaphore, #tpu.memory_space<semaphore_mem>> -> memref<1x!tpu.dma_semaphore, #tpu.memory_space<semaphore_mem>>
    %dma_start3A_26 = tpu.memref_squeeze %dma_start3A_25 : memref<1x!tpu.dma_semaphore, #tpu.memory_space<semaphore_mem>> -> memref<!tpu.dma_semaphore, #tpu.memory_space<semaphore_mem>>
    tpu.enqueue_indirect_dma source(%dma_start3A_24 : memref<100000x16xf32, #tpu.memory_space<hbm>>) target(%dma_start3A_19 : memref<128x16xf32, #tpu.memory_space<vmem>>) offsets(%dma_start3A_21 : memref<128xi32, #tpu.memory_space<vmem>>) semaphore(%dma_start3A_26 : memref<!tpu.dma_semaphore, #tpu.memory_space<semaphore_mem>>)
    %dma_start3A_27 = arith.constant 0 : i32
    %dma_start3A_28 = arith.constant 0 : i32
    %dma_start3A_29 = arith.constant 128 : i32
    %dma_start3A_30 = arith.constant 0 : i32
    %dma_start3A_31 = tpu.memref_slice %arg7[%dma_start3A_27, %dma_start3A_29, %dma_start3A_30] : memref<16x200x16xf32, #tpu.memory_space<vmem>> -> memref<1x72x16xf32, #tpu.memory_space<vmem>>
    %dma_start3A_32 = tpu.memref_squeeze %dma_start3A_31 : memref<1x72x16xf32, #tpu.memory_space<vmem>> -> memref<72x16xf32, #tpu.memory_space<vmem>>
    %dma_start3A_33 = arith.constant 128 : i32
    %dma_start3A_34 = tpu.memref_slice %arg6[%dma_start3A_33] : memref<6400xi32, #tpu.memory_space<vmem>> -> memref<72xi32, #tpu.memory_space<vmem>>
    %dma_start3A_35 = arith.constant 0 : i32
    %dma_start3A_36 = arith.constant 0 : i32
    %dma_start3A_37 = tpu.memref_slice %arg3[%dma_start3A_35, %dma_start3A_36] : memref<100000x16xf32, #tpu.memory_space<hbm>> -> memref<100000x16xf32, #tpu.memory_space<hbm>>
    %dma_start3A_38 = tpu.memref_slice %arg10[%dma_start3A_28] : memref<16x!tpu.dma_semaphore, #tpu.memory_space<semaphore_mem>> -> memref<1x!tpu.dma_semaphore, #tpu.memory_space<semaphore_mem>>
    %dma_start3A_39 = tpu.memref_squeeze %dma_start3A_38 : memref<1x!tpu.dma_semaphore, #tpu.memory_space<semaphore_mem>> -> memref<!tpu.dma_semaphore, #tpu.memory_space<semaphore_mem>>
    tpu.enqueue_indirect_dma source(%dma_start3A_37 : memref<100000x16xf32, #tpu.memory_space<hbm>>) target(%dma_start3A_32 : memref<72x16xf32, #tpu.memory_space<vmem>>) offsets(%dma_start3A_34 : memref<72xi32, #tpu.memory_space<vmem>>) semaphore(%dma_start3A_39 : memref<!tpu.dma_semaphore, #tpu.memory_space<semaphore_mem>>)
    %dma_start3A_40 = arith.constant 1 : i32
    %dma_start3A_41 = arith.constant 1 : i32
    %dma_start3A_42 = arith.constant 0 : i32
    %dma_start3A_43 = arith.constant 0 : i32
    %dma_start3A_44 = tpu.memref_slice %arg7[%dma_start3A_40, %dma_start3A_42, %dma_start3A_43] : memref<16x200x16xf32, #tpu.memory_space<vmem>> -> memref<1x128x16xf32, #tpu.memory_space<vmem>>
    %dma_start3A_45 = tpu.memref_squeeze %dma_start3A_44 : memref<1x128x16xf32, #tpu.memory_space<vmem>> -> memref<128x16xf32, #tpu.memory_space<vmem>>
    %dma_start3A_46 = arith.constant 200 : i32
    %dma_start3A_47 = tpu.memref_slice %arg6[%dma_start3A_46] : memref<6400xi32, #tpu.memory_space<vmem>> -> memref<128xi32, #tpu.memory_space<vmem>>
    %dma_start3A_48 = arith.constant 0 : i32
    %dma_start3A_49 = arith.constant 0 : i32
    %dma_start3A_50 = tpu.memref_slice %arg3[%dma_start3A_48, %dma_start3A_49] : memref<100000x16xf32, #tpu.memory_space<hbm>> -> memref<100000x16xf32, #tpu.memory_space<hbm>>
    %dma_start3A_51 = tpu.memref_slice %arg10[%dma_start3A_41] : memref<16x!tpu.dma_semaphore, #tpu.memory_space<semaphore_mem>> -> memref<1x!tpu.dma_semaphore, #tpu.memory_space<semaphore_mem>>
    %dma_start3A_52 = tpu.memref_squeeze %dma_start3A_51 : memref<1x!tpu.dma_semaphore, #tpu.memory_space<semaphore_mem>> -> memref<!tpu.dma_semaphore, #tpu.memory_space<semaphore_mem>>
    tpu.enqueue_indirect_dma source(%dma_start3A_50 : memref<100000x16xf32, #tpu.memory_space<hbm>>) target(%dma_start3A_45 : memref<128x16xf32, #tpu.memory_space<vmem>>) offsets(%dma_start3A_47 : memref<128xi32, #tpu.memory_space<vmem>>) semaphore(%dma_start3A_52 : memref<!tpu.dma_semaphore, #tpu.memory_space<semaphore_mem>>)
    %dma_start3A_53 = arith.constant 1 : i32
    %dma_start3A_54 = arith.constant 1 : i32
    %dma_start3A_55 = arith.constant 128 : i32
    %dma_start3A_56 = arith.constant 0 : i32
    %dma_start3A_57 = tpu.memref_slice %arg7[%dma_start3A_53, %dma_start3A_55, %dma_start3A_56] : memref<16x200x16xf32, #tpu.memory_space<vmem>> -> memref<1x72x16xf32, #tpu.memory_space<vmem>>
    %dma_start3A_58 = tpu.memref_squeeze %dma_start3A_57 : memref<1x72x16xf32, #tpu.memory_space<vmem>> -> memref<72x16xf32, #tpu.memory_space<vmem>>
    %dma_start3A_59 = arith.constant 328 : i32
    %dma_start3A_60 = tpu.memref_slice %arg6[%dma_start3A_59] : memref<6400xi32, #tpu.memory_space<vmem>> -> memref<72xi32, #tpu.memory_space<vmem>>
    %dma_start3A_61 = arith.constant 0 : i32
    %dma_start3A_62 = arith.constant 0 : i32
    %dma_start3A_63 = tpu.memref_slice %arg3[%dma_start3A_61, %dma_start3A_62] : memref<100000x16xf32, #tpu.memory_space<hbm>> -> memref<100000x16xf32, #tpu.memory_space<hbm>>
    %dma_start3A_64 = tpu.memref_slice %arg10[%dma_start3A_54] : memref<16x!tpu.dma_semaphore, #tpu.memory_space<semaphore_mem>> -> memref<1x!tpu.dma_semaphore, #tpu.memory_space<semaphore_mem>>
    %dma_start3A_65 = tpu.memref_squeeze %dma_start3A_64 : memref<1x!tpu.dma_semaphore, #tpu.memory_space<semaphore_mem>> -> memref<!tpu.dma_semaphore, #tpu.memory_space<semaphore_mem>>
    tpu.enqueue_indirect_dma source(%dma_start3A_63 : memref<100000x16xf32, #tpu.memory_space<hbm>>) target(%dma_start3A_58 : memref<72x16xf32, #tpu.memory_space<vmem>>) offsets(%dma_start3A_60 : memref<72xi32, #tpu.memory_space<vmem>>) semaphore(%dma_start3A_65 : memref<!tpu.dma_semaphore, #tpu.memory_space<semaphore_mem>>)
    %dma_start3A_66 = arith.constant 2 : i32
    %dma_start3A_67 = arith.constant 2 : i32
    %dma_start3A_68 = arith.constant 0 : i32
    %dma_start3A_69 = arith.constant 0 : i32
    %dma_start3A_70 = tpu.memref_slice %arg7[%dma_start3A_66, %dma_start3A_68, %dma_start3A_69] : memref<16x200x16xf32, #tpu.memory_space<vmem>> -> memref<1x128x16xf32, #tpu.memory_space<vmem>>
    %dma_start3A_71 = tpu.memref_squeeze %dma_start3A_70 : memref<1x128x16xf32, #tpu.memory_space<vmem>> -> memref<128x16xf32, #tpu.memory_space<vmem>>
    %dma_start3A_72 = arith.constant 400 : i32
    %dma_start3A_73 = tpu.memref_slice %arg6[%dma_start3A_72] : memref<6400xi32, #tpu.memory_space<vmem>> -> memref<128xi32, #tpu.memory_space<vmem>>
    %dma_start3A_74 = arith.constant 0 : i32
    %dma_start3A_75 = arith.constant 0 : i32
    %dma_start3A_76 = tpu.memref_slice %arg3[%dma_start3A_74, %dma_start3A_75] : memref<100000x16xf32, #tpu.memory_space<hbm>> -> memref<100000x16xf32, #tpu.memory_space<hbm>>
    %dma_start3A_77 = tpu.memref_slice %arg10[%dma_start3A_67] : memref<16x!tpu.dma_semaphore, #tpu.memory_space<semaphore_mem>> -> memref<1x!tpu.dma_semaphore, #tpu.memory_space<semaphore_mem>>
    %dma_start3A_78 = tpu.memref_squeeze %dma_start3A_77 : memref<1x!tpu.dma_semaphore, #tpu.memory_space<semaphore_mem>> -> memref<!tpu.dma_semaphore, #tpu.memory_space<semaphore_mem>>
    tpu.enqueue_indirect_dma source(%dma_start3A_76 : memref<100000x16xf32, #tpu.memory_space<hbm>>) target(%dma_start3A_71 : memref<128x16xf32, #tpu.memory_space<vmem>>) offsets(%dma_start3A_73 : memref<128xi32, #tpu.memory_space<vmem>>) semaphore(%dma_start3A_78 : memref<!tpu.dma_semaphore, #tpu.memory_space<semaphore_mem>>)
    %dma_start3A_79 = arith.constant 2 : i32
    %dma_start3A_80 = arith.constant 2 : i32
    %dma_start3A_81 = arith.constant 128 : i32
    %dma_start3A_82 = arith.constant 0 : i32
    %dma_start3A_83 = tpu.memref_slice %arg7[%dma_start3A_79, %dma_start3A_81, %dma_start3A_82] : memref<16x200x16xf32, #tpu.memory_space<vmem>> -> memref<1x72x16xf32, #tpu.memory_space<vmem>>
    %dma_start3A_84 = tpu.memref_squeeze %dma_start3A_83 : memref<1x72x16xf32, #tpu.memory_space<vmem>> -> memref<72x16xf32, #tpu.memory_space<vmem>>
    %dma_start3A_85 = arith.constant 528 : i32
    %dma_start3A_86 = tpu.memref_slice %arg6[%dma_start3A_85] : memref<6400xi32, #tpu.memory_space<vmem>> -> memref<72xi32, #tpu.memory_space<vmem>>
    %dma_start3A_87 = arith.constant 0 : i32
    %dma_start3A_88 = arith.constant 0 : i32
    %dma_start3A_89 = tpu.memref_slice %arg3[%dma_start3A_87, %dma_start3A_88] : memref<100000x16xf32, #tpu.memory_space<hbm>> -> memref<100000x16xf32, #tpu.memory_space<hbm>>
    %dma_start3A_90 = tpu.memref_slice %arg10[%dma_start3A_80] : memref<16x!tpu.dma_semaphore, #tpu.memory_space<semaphore_mem>> -> memref<1x!tpu.dma_semaphore, #tpu.memory_space<semaphore_mem>>
    %dma_start3A_91 = tpu.memref_squeeze %dma_start3A_90 : memref<1x!tpu.dma_semaphore, #tpu.memory_space<semaphore_mem>> -> memref<!tpu.dma_semaphore, #tpu.memory_space<semaphore_mem>>
    tpu.enqueue_indirect_dma source(%dma_start3A_89 : memref<100000x16xf32, #tpu.memory_space<hbm>>) target(%dma_start3A_84 : memref<72x16xf32, #tpu.memory_space<vmem>>) offsets(%dma_start3A_86 : memref<72xi32, #tpu.memory_space<vmem>>) semaphore(%dma_start3A_91 : memref<!tpu.dma_semaphore, #tpu.memory_space<semaphore_mem>>)
    %dma_start3A_92 = arith.constant 3 : i32
    %dma_start3A_93 = arith.constant 3 : i32
    %dma_start3A_94 = arith.constant 0 : i32
    %dma_start3A_95 = arith.constant 0 : i32
    %dma_start3A_96 = tpu.memref_slice %arg7[%dma_start3A_92, %dma_start3A_94, %dma_start3A_95] : memref<16x200x16xf32, #tpu.memory_space<vmem>> -> memref<1x128x16xf32, #tpu.memory_space<vmem>>
    %dma_start3A_97 = tpu.memref_squeeze %dma_start3A_96 : memref<1x128x16xf32, #tpu.memory_space<vmem>> -> memref<128x16xf32, #tpu.memory_space<vmem>>
    %dma_start3A_98 = arith.constant 600 : i32
    %dma_start3A_99 = tpu.memref_slice %arg6[%dma_start3A_98] : memref<6400xi32, #tpu.memory_space<vmem>> -> memref<128xi32, #tpu.memory_space<vmem>>
    %dma_start3A_100 = arith.constant 0 : i32
    %dma_start3A_101 = arith.constant 0 : i32
    %dma_start3A_102 = tpu.memref_slice %arg3[%dma_start3A_100, %dma_start3A_101] : memref<100000x16xf32, #tpu.memory_space<hbm>> -> memref<100000x16xf32, #tpu.memory_space<hbm>>
    %dma_start3A_103 = tpu.memref_slice %arg10[%dma_start3A_93] : memref<16x!tpu.dma_semaphore, #tpu.memory_space<semaphore_mem>> -> memref<1x!tpu.dma_semaphore, #tpu.memory_space<semaphore_mem>>
    %dma_start3A_104 = tpu.memref_squeeze %dma_start3A_103 : memref<1x!tpu.dma_semaphore, #tpu.memory_space<semaphore_mem>> -> memref<!tpu.dma_semaphore, #tpu.memory_space<semaphore_mem>>
    tpu.enqueue_indirect_dma source(%dma_start3A_102 : memref<100000x16xf32, #tpu.memory_space<hbm>>) target(%dma_start3A_97 : memref<128x16xf32, #tpu.memory_space<vmem>>) offsets(%dma_start3A_99 : memref<128xi32, #tpu.memory_space<vmem>>) semaphore(%dma_start3A_104 : memref<!tpu.dma_semaphore, #tpu.memory_space<semaphore_mem>>)
    %dma_start3A_105 = arith.constant 3 : i32
    %dma_start3A_106 = arith.constant 3 : i32
    %dma_start3A_107 = arith.constant 128 : i32
    %dma_start3A_108 = arith.constant 0 : i32
    %dma_start3A_109 = tpu.memref_slice %arg7[%dma_start3A_105, %dma_start3A_107, %dma_start3A_108] : memref<16x200x16xf32, #tpu.memory_space<vmem>> -> memref<1x72x16xf32, #tpu.memory_space<vmem>>
    %dma_start3A_110 = tpu.memref_squeeze %dma_start3A_109 : memref<1x72x16xf32, #tpu.memory_space<vmem>> -> memref<72x16xf32, #tpu.memory_space<vmem>>
    %dma_start3A_111 = arith.constant 728 : i32
    %dma_start3A_112 = tpu.memref_slice %arg6[%dma_start3A_111] : memref<6400xi32, #tpu.memory_space<vmem>> -> memref<72xi32, #tpu.memory_space<vmem>>
    %dma_start3A_113 = arith.constant 0 : i32
    %dma_start3A_114 = arith.constant 0 : i32
    %dma_start3A_115 = tpu.memref_slice %arg3[%dma_start3A_113, %dma_start3A_114] : memref<100000x16xf32, #tpu.memory_space<hbm>> -> memref<100000x16xf32, #tpu.memory_space<hbm>>
    %dma_start3A_116 = tpu.memref_slice %arg10[%dma_start3A_106] : memref<16x!tpu.dma_semaphore, #tpu.memory_space<semaphore_mem>> -> memref<1x!tpu.dma_semaphore, #tpu.memory_space<semaphore_mem>>
    %dma_start3A_117 = tpu.memref_squeeze %dma_start3A_116 : memref<1x!tpu.dma_semaphore, #tpu.memory_space<semaphore_mem>> -> memref<!tpu.dma_semaphore, #tpu.memory_space<semaphore_mem>>
    tpu.enqueue_indirect_dma source(%dma_start3A_115 : memref<100000x16xf32, #tpu.memory_space<hbm>>) target(%dma_start3A_110 : memref<72x16xf32, #tpu.memory_space<vmem>>) offsets(%dma_start3A_112 : memref<72xi32, #tpu.memory_space<vmem>>) semaphore(%dma_start3A_117 : memref<!tpu.dma_semaphore, #tpu.memory_space<semaphore_mem>>)
    %dma_start3A_118 = arith.constant 4 : i32
    %dma_start3A_119 = arith.constant 4 : i32
    %dma_start3A_120 = arith.constant 0 : i32
    %dma_start3A_121 = arith.constant 0 : i32
    %dma_start3A_122 = tpu.memref_slice %arg7[%dma_start3A_118, %dma_start3A_120, %dma_start3A_121] : memref<16x200x16xf32, #tpu.memory_space<vmem>> -> memref<1x128x16xf32, #tpu.memory_space<vmem>>
    %dma_start3A_123 = tpu.memref_squeeze %dma_start3A_122 : memref<1x128x16xf32, #tpu.memory_space<vmem>> -> memref<128x16xf32, #tpu.memory_space<vmem>>
    %dma_start3A_124 = arith.constant 800 : i32
    %dma_start3A_125 = tpu.memref_slice %arg6[%dma_start3A_124] : memref<6400xi32, #tpu.memory_space<vmem>> -> memref<128xi32, #tpu.memory_space<vmem>>
    %dma_start3A_126 = arith.constant 0 : i32
    %dma_start3A_127 = arith.constant 0 : i32
    %dma_start3A_128 = tpu.memref_slice %arg3[%dma_start3A_126, %dma_start3A_127] : memref<100000x16xf32, #tpu.memory_space<hbm>> -> memref<100000x16xf32, #tpu.memory_space<hbm>>
    %dma_start3A_129 = tpu.memref_slice %arg10[%dma_start3A_119] : memref<16x!tpu.dma_semaphore, #tpu.memory_space<semaphore_mem>> -> memref<1x!tpu.dma_semaphore, #tpu.memory_space<semaphore_mem>>
    %dma_start3A_130 = tpu.memref_squeeze %dma_start3A_129 : memref<1x!tpu.dma_semaphore, #tpu.memory_space<semaphore_mem>> -> memref<!tpu.dma_semaphore, #tpu.memory_space<semaphore_mem>>
    tpu.enqueue_indirect_dma source(%dma_start3A_128 : memref<100000x16xf32, #tpu.memory_space<hbm>>) target(%dma_start3A_123 : memref<128x16xf32, #tpu.memory_space<vmem>>) offsets(%dma_start3A_125 : memref<128xi32, #tpu.memory_space<vmem>>) semaphore(%dma_start3A_130 : memref<!tpu.dma_semaphore, #tpu.memory_space<semaphore_mem>>)
    %dma_start3A_131 = arith.constant 4 : i32
    %dma_start3A_132 = arith.constant 4 : i32
    %dma_start3A_133 = arith.constant 128 : i32
    %dma_start3A_134 = arith.constant 0 : i32
    %dma_start3A_135 = tpu.memref_slice %arg7[%dma_start3A_131, %dma_start3A_133, %dma_start3A_134] : memref<16x200x16xf32, #tpu.memory_space<vmem>> -> memref<1x72x16xf32, #tpu.memory_space<vmem>>
    %dma_start3A_136 = tpu.memref_squeeze %dma_start3A_135 : memref<1x72x16xf32, #tpu.memory_space<vmem>> -> memref<72x16xf32, #tpu.memory_space<vmem>>
    %dma_start3A_137 = arith.constant 928 : i32
    %dma_start3A_138 = tpu.memref_slice %arg6[%dma_start3A_137] : memref<6400xi32, #tpu.memory_space<vmem>> -> memref<72xi32, #tpu.memory_space<vmem>>
    %dma_start3A_139 = arith.constant 0 : i32
    %dma_start3A_140 = arith.constant 0 : i32
    %dma_start3A_141 = tpu.memref_slice %arg3[%dma_start3A_139, %dma_start3A_140] : memref<100000x16xf32, #tpu.memory_space<hbm>> -> memref<100000x16xf32, #tpu.memory_space<hbm>>
    %dma_start3A_142 = tpu.memref_slice %arg10[%dma_start3A_132] : memref<16x!tpu.dma_semaphore, #tpu.memory_space<semaphore_mem>> -> memref<1x!tpu.dma_semaphore, #tpu.memory_space<semaphore_mem>>
    %dma_start3A_143 = tpu.memref_squeeze %dma_start3A_142 : memref<1x!tpu.dma_semaphore, #tpu.memory_space<semaphore_mem>> -> memref<!tpu.dma_semaphore, #tpu.memory_space<semaphore_mem>>
    tpu.enqueue_indirect_dma source(%dma_start3A_141 : memref<100000x16xf32, #tpu.memory_space<hbm>>) target(%dma_start3A_136 : memref<72x16xf32, #tpu.memory_space<vmem>>) offsets(%dma_start3A_138 : memref<72xi32, #tpu.memory_space<vmem>>) semaphore(%dma_start3A_143 : memref<!tpu.dma_semaphore, #tpu.memory_space<semaphore_mem>>)
    %dma_start3A_144 = arith.constant 5 : i32
    %dma_start3A_145 = arith.constant 5 : i32
    %dma_start3A_146 = arith.constant 0 : i32
    %dma_start3A_147 = arith.constant 0 : i32
    %dma_start3A_148 = tpu.memref_slice %arg7[%dma_start3A_144, %dma_start3A_146, %dma_start3A_147] : memref<16x200x16xf32, #tpu.memory_space<vmem>> -> memref<1x128x16xf32, #tpu.memory_space<vmem>>
    %dma_start3A_149 = tpu.memref_squeeze %dma_start3A_148 : memref<1x128x16xf32, #tpu.memory_space<vmem>> -> memref<128x16xf32, #tpu.memory_space<vmem>>
    %dma_start3A_150 = arith.constant 1000 : i32
    %dma_start3A_151 = tpu.memref_slice %arg6[%dma_start3A_150] : memref<6400xi32, #tpu.memory_space<vmem>> -> memref<128xi32, #tpu.memory_space<vmem>>
    %dma_start3A_152 = arith.constant 0 : i32
    %dma_start3A_153 = arith.constant 0 : i32
    %dma_start3A_154 = tpu.memref_slice %arg3[%dma_start3A_152, %dma_start3A_153] : memref<100000x16xf32, #tpu.memory_space<hbm>> -> memref<100000x16xf32, #tpu.memory_space<hbm>>
    %dma_start3A_155 = tpu.memref_slice %arg10[%dma_start3A_145] : memref<16x!tpu.dma_semaphore, #tpu.memory_space<semaphore_mem>> -> memref<1x!tpu.dma_semaphore, #tpu.memory_space<semaphore_mem>>
    %dma_start3A_156 = tpu.memref_squeeze %dma_start3A_155 : memref<1x!tpu.dma_semaphore, #tpu.memory_space<semaphore_mem>> -> memref<!tpu.dma_semaphore, #tpu.memory_space<semaphore_mem>>
    tpu.enqueue_indirect_dma source(%dma_start3A_154 : memref<100000x16xf32, #tpu.memory_space<hbm>>) target(%dma_start3A_149 : memref<128x16xf32, #tpu.memory_space<vmem>>) offsets(%dma_start3A_151 : memref<128xi32, #tpu.memory_space<vmem>>) semaphore(%dma_start3A_156 : memref<!tpu.dma_semaphore, #tpu.memory_space<semaphore_mem>>)
    %dma_start3A_157 = arith.constant 5 : i32
    %dma_start3A_158 = arith.constant 5 : i32
    %dma_start3A_159 = arith.constant 128 : i32
    %dma_start3A_160 = arith.constant 0 : i32
    %dma_start3A_161 = tpu.memref_slice %arg7[%dma_start3A_157, %dma_start3A_159, %dma_start3A_160] : memref<16x200x16xf32, #tpu.memory_space<vmem>> -> memref<1x72x16xf32, #tpu.memory_space<vmem>>
    %dma_start3A_162 = tpu.memref_squeeze %dma_start3A_161 : memref<1x72x16xf32, #tpu.memory_space<vmem>> -> memref<72x16xf32, #tpu.memory_space<vmem>>
    %dma_start3A_163 = arith.constant 1128 : i32
    %dma_start3A_164 = tpu.memref_slice %arg6[%dma_start3A_163] : memref<6400xi32, #tpu.memory_space<vmem>> -> memref<72xi32, #tpu.memory_space<vmem>>
    %dma_start3A_165 = arith.constant 0 : i32
    %dma_start3A_166 = arith.constant 0 : i32
    %dma_start3A_167 = tpu.memref_slice %arg3[%dma_start3A_165, %dma_start3A_166] : memref<100000x16xf32, #tpu.memory_space<hbm>> -> memref<100000x16xf32, #tpu.memory_space<hbm>>
    %dma_start3A_168 = tpu.memref_slice %arg10[%dma_start3A_158] : memref<16x!tpu.dma_semaphore, #tpu.memory_space<semaphore_mem>> -> memref<1x!tpu.dma_semaphore, #tpu.memory_space<semaphore_mem>>
    %dma_start3A_169 = tpu.memref_squeeze %dma_start3A_168 : memref<1x!tpu.dma_semaphore, #tpu.memory_space<semaphore_mem>> -> memref<!tpu.dma_semaphore, #tpu.memory_space<semaphore_mem>>
    tpu.enqueue_indirect_dma source(%dma_start3A_167 : memref<100000x16xf32, #tpu.memory_space<hbm>>) target(%dma_start3A_162 : memref<72x16xf32, #tpu.memory_space<vmem>>) offsets(%dma_start3A_164 : memref<72xi32, #tpu.memory_space<vmem>>) semaphore(%dma_start3A_169 : memref<!tpu.dma_semaphore, #tpu.memory_space<semaphore_mem>>)
    %dma_start3A_170 = arith.constant 6 : i32
    %dma_start3A_171 = arith.constant 6 : i32
    %dma_start3A_172 = arith.constant 0 : i32
    %dma_start3A_173 = arith.constant 0 : i32
    %dma_start3A_174 = tpu.memref_slice %arg7[%dma_start3A_170, %dma_start3A_172, %dma_start3A_173] : memref<16x200x16xf32, #tpu.memory_space<vmem>> -> memref<1x128x16xf32, #tpu.memory_space<vmem>>
    %dma_start3A_175 = tpu.memref_squeeze %dma_start3A_174 : memref<1x128x16xf32, #tpu.memory_space<vmem>> -> memref<128x16xf32, #tpu.memory_space<vmem>>
    %dma_start3A_176 = arith.constant 1200 : i32
    %dma_start3A_177 = tpu.memref_slice %arg6[%dma_start3A_176] : memref<6400xi32, #tpu.memory_space<vmem>> -> memref<128xi32, #tpu.memory_space<vmem>>
    %dma_start3A_178 = arith.constant 0 : i32
    %dma_start3A_179 = arith.constant 0 : i32
    %dma_start3A_180 = tpu.memref_slice %arg3[%dma_start3A_178, %dma_start3A_179] : memref<100000x16xf32, #tpu.memory_space<hbm>> -> memref<100000x16xf32, #tpu.memory_space<hbm>>
    %dma_start3A_181 = tpu.memref_slice %arg10[%dma_start3A_171] : memref<16x!tpu.dma_semaphore, #tpu.memory_space<semaphore_mem>> -> memref<1x!tpu.dma_semaphore, #tpu.memory_space<semaphore_mem>>
    %dma_start3A_182 = tpu.memref_squeeze %dma_start3A_181 : memref<1x!tpu.dma_semaphore, #tpu.memory_space<semaphore_mem>> -> memref<!tpu.dma_semaphore, #tpu.memory_space<semaphore_mem>>
    tpu.enqueue_indirect_dma source(%dma_start3A_180 : memref<100000x16xf32, #tpu.memory_space<hbm>>) target(%dma_start3A_175 : memref<128x16xf32, #tpu.memory_space<vmem>>) offsets(%dma_start3A_177 : memref<128xi32, #tpu.memory_space<vmem>>) semaphore(%dma_start3A_182 : memref<!tpu.dma_semaphore, #tpu.memory_space<semaphore_mem>>)
    %dma_start3A_183 = arith.constant 6 : i32
    %dma_start3A_184 = arith.constant 6 : i32
    %dma_start3A_185 = arith.constant 128 : i32
    %dma_start3A_186 = arith.constant 0 : i32
    %dma_start3A_187 = tpu.memref_slice %arg7[%dma_start3A_183, %dma_start3A_185, %dma_start3A_186] : memref<16x200x16xf32, #tpu.memory_space<vmem>> -> memref<1x72x16xf32, #tpu.memory_space<vmem>>
    %dma_start3A_188 = tpu.memref_squeeze %dma_start3A_187 : memref<1x72x16xf32, #tpu.memory_space<vmem>> -> memref<72x16xf32, #tpu.memory_space<vmem>>
    %dma_start3A_189 = arith.constant 1328 : i32
    %dma_start3A_190 = tpu.memref_slice %arg6[%dma_start3A_189] : memref<6400xi32, #tpu.memory_space<vmem>> -> memref<72xi32, #tpu.memory_space<vmem>>
    %dma_start3A_191 = arith.constant 0 : i32
    %dma_start3A_192 = arith.constant 0 : i32
    %dma_start3A_193 = tpu.memref_slice %arg3[%dma_start3A_191, %dma_start3A_192] : memref<100000x16xf32, #tpu.memory_space<hbm>> -> memref<100000x16xf32, #tpu.memory_space<hbm>>
    %dma_start3A_194 = tpu.memref_slice %arg10[%dma_start3A_184] : memref<16x!tpu.dma_semaphore, #tpu.memory_space<semaphore_mem>> -> memref<1x!tpu.dma_semaphore, #tpu.memory_space<semaphore_mem>>
    %dma_start3A_195 = tpu.memref_squeeze %dma_start3A_194 : memref<1x!tpu.dma_semaphore, #tpu.memory_space<semaphore_mem>> -> memref<!tpu.dma_semaphore, #tpu.memory_space<semaphore_mem>>
    tpu.enqueue_indirect_dma source(%dma_start3A_193 : memref<100000x16xf32, #tpu.memory_space<hbm>>) target(%dma_start3A_188 : memref<72x16xf32, #tpu.memory_space<vmem>>) offsets(%dma_start3A_190 : memref<72xi32, #tpu.memory_space<vmem>>) semaphore(%dma_start3A_195 : memref<!tpu.dma_semaphore, #tpu.memory_space<semaphore_mem>>)
    %dma_start3A_196 = arith.constant 7 : i32
    %dma_start3A_197 = arith.constant 7 : i32
    %dma_start3A_198 = arith.constant 0 : i32
    %dma_start3A_199 = arith.constant 0 : i32
    %dma_start3A_200 = tpu.memref_slice %arg7[%dma_start3A_196, %dma_start3A_198, %dma_start3A_199] : memref<16x200x16xf32, #tpu.memory_space<vmem>> -> memref<1x128x16xf32, #tpu.memory_space<vmem>>
    %dma_start3A_201 = tpu.memref_squeeze %dma_start3A_200 : memref<1x128x16xf32, #tpu.memory_space<vmem>> -> memref<128x16xf32, #tpu.memory_space<vmem>>
    %dma_start3A_202 = arith.constant 1400 : i32
    %dma_start3A_203 = tpu.memref_slice %arg6[%dma_start3A_202] : memref<6400xi32, #tpu.memory_space<vmem>> -> memref<128xi32, #tpu.memory_space<vmem>>
    %dma_start3A_204 = arith.constant 0 : i32
    %dma_start3A_205 = arith.constant 0 : i32
    %dma_start3A_206 = tpu.memref_slice %arg3[%dma_start3A_204, %dma_start3A_205] : memref<100000x16xf32, #tpu.memory_space<hbm>> -> memref<100000x16xf32, #tpu.memory_space<hbm>>
    %dma_start3A_207 = tpu.memref_slice %arg10[%dma_start3A_197] : memref<16x!tpu.dma_semaphore, #tpu.memory_space<semaphore_mem>> -> memref<1x!tpu.dma_semaphore, #tpu.memory_space<semaphore_mem>>
    %dma_start3A_208 = tpu.memref_squeeze %dma_start3A_207 : memref<1x!tpu.dma_semaphore, #tpu.memory_space<semaphore_mem>> -> memref<!tpu.dma_semaphore, #tpu.memory_space<semaphore_mem>>
    tpu.enqueue_indirect_dma source(%dma_start3A_206 : memref<100000x16xf32, #tpu.memory_space<hbm>>) target(%dma_start3A_201 : memref<128x16xf32, #tpu.memory_space<vmem>>) offsets(%dma_start3A_203 : memref<128xi32, #tpu.memory_space<vmem>>) semaphore(%dma_start3A_208 : memref<!tpu.dma_semaphore, #tpu.memory_space<semaphore_mem>>)
    %dma_start3A_209 = arith.constant 7 : i32
    %dma_start3A_210 = arith.constant 7 : i32
    %dma_start3A_211 = arith.constant 128 : i32
    %dma_start3A_212 = arith.constant 0 : i32
    %dma_start3A_213 = tpu.memref_slice %arg7[%dma_start3A_209, %dma_start3A_211, %dma_start3A_212] : memref<16x200x16xf32, #tpu.memory_space<vmem>> -> memref<1x72x16xf32, #tpu.memory_space<vmem>>
    %dma_start3A_214 = tpu.memref_squeeze %dma_start3A_213 : memref<1x72x16xf32, #tpu.memory_space<vmem>> -> memref<72x16xf32, #tpu.memory_space<vmem>>
    %dma_start3A_215 = arith.constant 1528 : i32
    %dma_start3A_216 = tpu.memref_slice %arg6[%dma_start3A_215] : memref<6400xi32, #tpu.memory_space<vmem>> -> memref<72xi32, #tpu.memory_space<vmem>>
    %dma_start3A_217 = arith.constant 0 : i32
    %dma_start3A_218 = arith.constant 0 : i32
    %dma_start3A_219 = tpu.memref_slice %arg3[%dma_start3A_217, %dma_start3A_218] : memref<100000x16xf32, #tpu.memory_space<hbm>> -> memref<100000x16xf32, #tpu.memory_space<hbm>>
    %dma_start3A_220 = tpu.memref_slice %arg10[%dma_start3A_210] : memref<16x!tpu.dma_semaphore, #tpu.memory_space<semaphore_mem>> -> memref<1x!tpu.dma_semaphore, #tpu.memory_space<semaphore_mem>>
    %dma_start3A_221 = tpu.memref_squeeze %dma_start3A_220 : memref<1x!tpu.dma_semaphore, #tpu.memory_space<semaphore_mem>> -> memref<!tpu.dma_semaphore, #tpu.memory_space<semaphore_mem>>
    tpu.enqueue_indirect_dma source(%dma_start3A_219 : memref<100000x16xf32, #tpu.memory_space<hbm>>) target(%dma_start3A_214 : memref<72x16xf32, #tpu.memory_space<vmem>>) offsets(%dma_start3A_216 : memref<72xi32, #tpu.memory_space<vmem>>) semaphore(%dma_start3A_221 : memref<!tpu.dma_semaphore, #tpu.memory_space<semaphore_mem>>)
    %dma_start3A_222 = arith.constant 8 : i32
    %dma_start3A_223 = arith.constant 8 : i32
    %dma_start3A_224 = arith.constant 0 : i32
    %dma_start3A_225 = arith.constant 0 : i32
    %dma_start3A_226 = tpu.memref_slice %arg7[%dma_start3A_222, %dma_start3A_224, %dma_start3A_225] : memref<16x200x16xf32, #tpu.memory_space<vmem>> -> memref<1x128x16xf32, #tpu.memory_space<vmem>>
    %dma_start3A_227 = tpu.memref_squeeze %dma_start3A_226 : memref<1x128x16xf32, #tpu.memory_space<vmem>> -> memref<128x16xf32, #tpu.memory_space<vmem>>
    %dma_start3A_228 = arith.constant 1600 : i32
    %dma_start3A_229 = tpu.memref_slice %arg6[%dma_start3A_228] : memref<6400xi32, #tpu.memory_space<vmem>> -> memref<128xi32, #tpu.memory_space<vmem>>
    %dma_start3A_230 = arith.constant 0 : i32
    %dma_start3A_231 = arith.constant 0 : i32
    %dma_start3A_232 = tpu.memref_slice %arg3[%dma_start3A_230, %dma_start3A_231] : memref<100000x16xf32, #tpu.memory_space<hbm>> -> memref<100000x16xf32, #tpu.memory_space<hbm>>
    %dma_start3A_233 = tpu.memref_slice %arg10[%dma_start3A_223] : memref<16x!tpu.dma_semaphore, #tpu.memory_space<semaphore_mem>> -> memref<1x!tpu.dma_semaphore, #tpu.memory_space<semaphore_mem>>
    %dma_start3A_234 = tpu.memref_squeeze %dma_start3A_233 : memref<1x!tpu.dma_semaphore, #tpu.memory_space<semaphore_mem>> -> memref<!tpu.dma_semaphore, #tpu.memory_space<semaphore_mem>>
    tpu.enqueue_indirect_dma source(%dma_start3A_232 : memref<100000x16xf32, #tpu.memory_space<hbm>>) target(%dma_start3A_227 : memref<128x16xf32, #tpu.memory_space<vmem>>) offsets(%dma_start3A_229 : memref<128xi32, #tpu.memory_space<vmem>>) semaphore(%dma_start3A_234 : memref<!tpu.dma_semaphore, #tpu.memory_space<semaphore_mem>>)
    %dma_start3A_235 = arith.constant 8 : i32
    %dma_start3A_236 = arith.constant 8 : i32
    %dma_start3A_237 = arith.constant 128 : i32
    %dma_start3A_238 = arith.constant 0 : i32
    %dma_start3A_239 = tpu.memref_slice %arg7[%dma_start3A_235, %dma_start3A_237, %dma_start3A_238] : memref<16x200x16xf32, #tpu.memory_space<vmem>> -> memref<1x72x16xf32, #tpu.memory_space<vmem>>
    %dma_start3A_240 = tpu.memref_squeeze %dma_start3A_239 : memref<1x72x16xf32, #tpu.memory_space<vmem>> -> memref<72x16xf32, #tpu.memory_space<vmem>>
    %dma_start3A_241 = arith.constant 1728 : i32
    %dma_start3A_242 = tpu.memref_slice %arg6[%dma_start3A_241] : memref<6400xi32, #tpu.memory_space<vmem>> -> memref<72xi32, #tpu.memory_space<vmem>>
    %dma_start3A_243 = arith.constant 0 : i32
    %dma_start3A_244 = arith.constant 0 : i32
    %dma_start3A_245 = tpu.memref_slice %arg3[%dma_start3A_243, %dma_start3A_244] : memref<100000x16xf32, #tpu.memory_space<hbm>> -> memref<100000x16xf32, #tpu.memory_space<hbm>>
    %dma_start3A_246 = tpu.memref_slice %arg10[%dma_start3A_236] : memref<16x!tpu.dma_semaphore, #tpu.memory_space<semaphore_mem>> -> memref<1x!tpu.dma_semaphore, #tpu.memory_space<semaphore_mem>>
    %dma_start3A_247 = tpu.memref_squeeze %dma_start3A_246 : memref<1x!tpu.dma_semaphore, #tpu.memory_space<semaphore_mem>> -> memref<!tpu.dma_semaphore, #tpu.memory_space<semaphore_mem>>
    tpu.enqueue_indirect_dma source(%dma_start3A_245 : memref<100000x16xf32, #tpu.memory_space<hbm>>) target(%dma_start3A_240 : memref<72x16xf32, #tpu.memory_space<vmem>>) offsets(%dma_start3A_242 : memref<72xi32, #tpu.memory_space<vmem>>) semaphore(%dma_start3A_247 : memref<!tpu.dma_semaphore, #tpu.memory_space<semaphore_mem>>)
    %dma_start3A_248 = arith.constant 9 : i32
    %dma_start3A_249 = arith.constant 9 : i32
    %dma_start3A_250 = arith.constant 0 : i32
    %dma_start3A_251 = arith.constant 0 : i32
    %dma_start3A_252 = tpu.memref_slice %arg7[%dma_start3A_248, %dma_start3A_250, %dma_start3A_251] : memref<16x200x16xf32, #tpu.memory_space<vmem>> -> memref<1x128x16xf32, #tpu.memory_space<vmem>>
    %dma_start3A_253 = tpu.memref_squeeze %dma_start3A_252 : memref<1x128x16xf32, #tpu.memory_space<vmem>> -> memref<128x16xf32, #tpu.memory_space<vmem>>
    %dma_start3A_254 = arith.constant 1800 : i32
    %dma_start3A_255 = tpu.memref_slice %arg6[%dma_start3A_254] : memref<6400xi32, #tpu.memory_space<vmem>> -> memref<128xi32, #tpu.memory_space<vmem>>
    %dma_start3A_256 = arith.constant 0 : i32
    %dma_start3A_257 = arith.constant 0 : i32
    %dma_start3A_258 = tpu.memref_slice %arg3[%dma_start3A_256, %dma_start3A_257] : memref<100000x16xf32, #tpu.memory_space<hbm>> -> memref<100000x16xf32, #tpu.memory_space<hbm>>
    %dma_start3A_259 = tpu.memref_slice %arg10[%dma_start3A_249] : memref<16x!tpu.dma_semaphore, #tpu.memory_space<semaphore_mem>> -> memref<1x!tpu.dma_semaphore, #tpu.memory_space<semaphore_mem>>
    %dma_start3A_260 = tpu.memref_squeeze %dma_start3A_259 : memref<1x!tpu.dma_semaphore, #tpu.memory_space<semaphore_mem>> -> memref<!tpu.dma_semaphore, #tpu.memory_space<semaphore_mem>>
    tpu.enqueue_indirect_dma source(%dma_start3A_258 : memref<100000x16xf32, #tpu.memory_space<hbm>>) target(%dma_start3A_253 : memref<128x16xf32, #tpu.memory_space<vmem>>) offsets(%dma_start3A_255 : memref<128xi32, #tpu.memory_space<vmem>>) semaphore(%dma_start3A_260 : memref<!tpu.dma_semaphore, #tpu.memory_space<semaphore_mem>>)
    %dma_start3A_261 = arith.constant 9 : i32
    %dma_start3A_262 = arith.constant 9 : i32
    %dma_start3A_263 = arith.constant 128 : i32
    %dma_start3A_264 = arith.constant 0 : i32
    %dma_start3A_265 = tpu.memref_slice %arg7[%dma_start3A_261, %dma_start3A_263, %dma_start3A_264] : memref<16x200x16xf32, #tpu.memory_space<vmem>> -> memref<1x72x16xf32, #tpu.memory_space<vmem>>
    %dma_start3A_266 = tpu.memref_squeeze %dma_start3A_265 : memref<1x72x16xf32, #tpu.memory_space<vmem>> -> memref<72x16xf32, #tpu.memory_space<vmem>>
    %dma_start3A_267 = arith.constant 1928 : i32
    %dma_start3A_268 = tpu.memref_slice %arg6[%dma_start3A_267] : memref<6400xi32, #tpu.memory_space<vmem>> -> memref<72xi32, #tpu.memory_space<vmem>>
    %dma_start3A_269 = arith.constant 0 : i32
    %dma_start3A_270 = arith.constant 0 : i32
    %dma_start3A_271 = tpu.memref_slice %arg3[%dma_start3A_269, %dma_start3A_270] : memref<100000x16xf32, #tpu.memory_space<hbm>> -> memref<100000x16xf32, #tpu.memory_space<hbm>>
    %dma_start3A_272 = tpu.memref_slice %arg10[%dma_start3A_262] : memref<16x!tpu.dma_semaphore, #tpu.memory_space<semaphore_mem>> -> memref<1x!tpu.dma_semaphore, #tpu.memory_space<semaphore_mem>>
    %dma_start3A_273 = tpu.memref_squeeze %dma_start3A_272 : memref<1x!tpu.dma_semaphore, #tpu.memory_space<semaphore_mem>> -> memref<!tpu.dma_semaphore, #tpu.memory_space<semaphore_mem>>
    tpu.enqueue_indirect_dma source(%dma_start3A_271 : memref<100000x16xf32, #tpu.memory_space<hbm>>) target(%dma_start3A_266 : memref<72x16xf32, #tpu.memory_space<vmem>>) offsets(%dma_start3A_268 : memref<72xi32, #tpu.memory_space<vmem>>) semaphore(%dma_start3A_273 : memref<!tpu.dma_semaphore, #tpu.memory_space<semaphore_mem>>)
    %dma_start3A_274 = arith.constant 10 : i32
    %dma_start3A_275 = arith.constant 10 : i32
    %dma_start3A_276 = arith.constant 0 : i32
    %dma_start3A_277 = arith.constant 0 : i32
    %dma_start3A_278 = tpu.memref_slice %arg7[%dma_start3A_274, %dma_start3A_276, %dma_start3A_277] : memref<16x200x16xf32, #tpu.memory_space<vmem>> -> memref<1x128x16xf32, #tpu.memory_space<vmem>>
    %dma_start3A_279 = tpu.memref_squeeze %dma_start3A_278 : memref<1x128x16xf32, #tpu.memory_space<vmem>> -> memref<128x16xf32, #tpu.memory_space<vmem>>
    %dma_start3A_280 = arith.constant 2000 : i32
    %dma_start3A_281 = tpu.memref_slice %arg6[%dma_start3A_280] : memref<6400xi32, #tpu.memory_space<vmem>> -> memref<128xi32, #tpu.memory_space<vmem>>
    %dma_start3A_282 = arith.constant 0 : i32
    %dma_start3A_283 = arith.constant 0 : i32
    %dma_start3A_284 = tpu.memref_slice %arg3[%dma_start3A_282, %dma_start3A_283] : memref<100000x16xf32, #tpu.memory_space<hbm>> -> memref<100000x16xf32, #tpu.memory_space<hbm>>
    %dma_start3A_285 = tpu.memref_slice %arg10[%dma_start3A_275] : memref<16x!tpu.dma_semaphore, #tpu.memory_space<semaphore_mem>> -> memref<1x!tpu.dma_semaphore, #tpu.memory_space<semaphore_mem>>
    %dma_start3A_286 = tpu.memref_squeeze %dma_start3A_285 : memref<1x!tpu.dma_semaphore, #tpu.memory_space<semaphore_mem>> -> memref<!tpu.dma_semaphore, #tpu.memory_space<semaphore_mem>>
    tpu.enqueue_indirect_dma source(%dma_start3A_284 : memref<100000x16xf32, #tpu.memory_space<hbm>>) target(%dma_start3A_279 : memref<128x16xf32, #tpu.memory_space<vmem>>) offsets(%dma_start3A_281 : memref<128xi32, #tpu.memory_space<vmem>>) semaphore(%dma_start3A_286 : memref<!tpu.dma_semaphore, #tpu.memory_space<semaphore_mem>>)
    %dma_start3A_287 = arith.constant 10 : i32
    %dma_start3A_288 = arith.constant 10 : i32
    %dma_start3A_289 = arith.constant 128 : i32
    %dma_start3A_290 = arith.constant 0 : i32
    %dma_start3A_291 = tpu.memref_slice %arg7[%dma_start3A_287, %dma_start3A_289, %dma_start3A_290] : memref<16x200x16xf32, #tpu.memory_space<vmem>> -> memref<1x72x16xf32, #tpu.memory_space<vmem>>
    %dma_start3A_292 = tpu.memref_squeeze %dma_start3A_291 : memref<1x72x16xf32, #tpu.memory_space<vmem>> -> memref<72x16xf32, #tpu.memory_space<vmem>>
    %dma_start3A_293 = arith.constant 2128 : i32
    %dma_start3A_294 = tpu.memref_slice %arg6[%dma_start3A_293] : memref<6400xi32, #tpu.memory_space<vmem>> -> memref<72xi32, #tpu.memory_space<vmem>>
    %dma_start3A_295 = arith.constant 0 : i32
    %dma_start3A_296 = arith.constant 0 : i32
    %dma_start3A_297 = tpu.memref_slice %arg3[%dma_start3A_295, %dma_start3A_296] : memref<100000x16xf32, #tpu.memory_space<hbm>> -> memref<100000x16xf32, #tpu.memory_space<hbm>>
    %dma_start3A_298 = tpu.memref_slice %arg10[%dma_start3A_288] : memref<16x!tpu.dma_semaphore, #tpu.memory_space<semaphore_mem>> -> memref<1x!tpu.dma_semaphore, #tpu.memory_space<semaphore_mem>>
    %dma_start3A_299 = tpu.memref_squeeze %dma_start3A_298 : memref<1x!tpu.dma_semaphore, #tpu.memory_space<semaphore_mem>> -> memref<!tpu.dma_semaphore, #tpu.memory_space<semaphore_mem>>
    tpu.enqueue_indirect_dma source(%dma_start3A_297 : memref<100000x16xf32, #tpu.memory_space<hbm>>) target(%dma_start3A_292 : memref<72x16xf32, #tpu.memory_space<vmem>>) offsets(%dma_start3A_294 : memref<72xi32, #tpu.memory_space<vmem>>) semaphore(%dma_start3A_299 : memref<!tpu.dma_semaphore, #tpu.memory_space<semaphore_mem>>)
    %dma_start3A_300 = arith.constant 11 : i32
    %dma_start3A_301 = arith.constant 11 : i32
    %dma_start3A_302 = arith.constant 0 : i32
    %dma_start3A_303 = arith.constant 0 : i32
    %dma_start3A_304 = tpu.memref_slice %arg7[%dma_start3A_300, %dma_start3A_302, %dma_start3A_303] : memref<16x200x16xf32, #tpu.memory_space<vmem>> -> memref<1x128x16xf32, #tpu.memory_space<vmem>>
    %dma_start3A_305 = tpu.memref_squeeze %dma_start3A_304 : memref<1x128x16xf32, #tpu.memory_space<vmem>> -> memref<128x16xf32, #tpu.memory_space<vmem>>
    %dma_start3A_306 = arith.constant 2200 : i32
    %dma_start3A_307 = tpu.memref_slice %arg6[%dma_start3A_306] : memref<6400xi32, #tpu.memory_space<vmem>> -> memref<128xi32, #tpu.memory_space<vmem>>
    %dma_start3A_308 = arith.constant 0 : i32
    %dma_start3A_309 = arith.constant 0 : i32
    %dma_start3A_310 = tpu.memref_slice %arg3[%dma_start3A_308, %dma_start3A_309] : memref<100000x16xf32, #tpu.memory_space<hbm>> -> memref<100000x16xf32, #tpu.memory_space<hbm>>
    %dma_start3A_311 = tpu.memref_slice %arg10[%dma_start3A_301] : memref<16x!tpu.dma_semaphore, #tpu.memory_space<semaphore_mem>> -> memref<1x!tpu.dma_semaphore, #tpu.memory_space<semaphore_mem>>
    %dma_start3A_312 = tpu.memref_squeeze %dma_start3A_311 : memref<1x!tpu.dma_semaphore, #tpu.memory_space<semaphore_mem>> -> memref<!tpu.dma_semaphore, #tpu.memory_space<semaphore_mem>>
    tpu.enqueue_indirect_dma source(%dma_start3A_310 : memref<100000x16xf32, #tpu.memory_space<hbm>>) target(%dma_start3A_305 : memref<128x16xf32, #tpu.memory_space<vmem>>) offsets(%dma_start3A_307 : memref<128xi32, #tpu.memory_space<vmem>>) semaphore(%dma_start3A_312 : memref<!tpu.dma_semaphore, #tpu.memory_space<semaphore_mem>>)
    %dma_start3A_313 = arith.constant 11 : i32
    %dma_start3A_314 = arith.constant 11 : i32
    %dma_start3A_315 = arith.constant 128 : i32
    %dma_start3A_316 = arith.constant 0 : i32
    %dma_start3A_317 = tpu.memref_slice %arg7[%dma_start3A_313, %dma_start3A_315, %dma_start3A_316] : memref<16x200x16xf32, #tpu.memory_space<vmem>> -> memref<1x72x16xf32, #tpu.memory_space<vmem>>
    %dma_start3A_318 = tpu.memref_squeeze %dma_start3A_317 : memref<1x72x16xf32, #tpu.memory_space<vmem>> -> memref<72x16xf32, #tpu.memory_space<vmem>>
    %dma_start3A_319 = arith.constant 2328 : i32
    %dma_start3A_320 = tpu.memref_slice %arg6[%dma_start3A_319] : memref<6400xi32, #tpu.memory_space<vmem>> -> memref<72xi32, #tpu.memory_space<vmem>>
    %dma_start3A_321 = arith.constant 0 : i32
    %dma_start3A_322 = arith.constant 0 : i32
    %dma_start3A_323 = tpu.memref_slice %arg3[%dma_start3A_321, %dma_start3A_322] : memref<100000x16xf32, #tpu.memory_space<hbm>> -> memref<100000x16xf32, #tpu.memory_space<hbm>>
    %dma_start3A_324 = tpu.memref_slice %arg10[%dma_start3A_314] : memref<16x!tpu.dma_semaphore, #tpu.memory_space<semaphore_mem>> -> memref<1x!tpu.dma_semaphore, #tpu.memory_space<semaphore_mem>>
    %dma_start3A_325 = tpu.memref_squeeze %dma_start3A_324 : memref<1x!tpu.dma_semaphore, #tpu.memory_space<semaphore_mem>> -> memref<!tpu.dma_semaphore, #tpu.memory_space<semaphore_mem>>
    tpu.enqueue_indirect_dma source(%dma_start3A_323 : memref<100000x16xf32, #tpu.memory_space<hbm>>) target(%dma_start3A_318 : memref<72x16xf32, #tpu.memory_space<vmem>>) offsets(%dma_start3A_320 : memref<72xi32, #tpu.memory_space<vmem>>) semaphore(%dma_start3A_325 : memref<!tpu.dma_semaphore, #tpu.memory_space<semaphore_mem>>)
    %dma_start3A_326 = arith.constant 12 : i32
    %dma_start3A_327 = arith.constant 12 : i32
    %dma_start3A_328 = arith.constant 0 : i32
    %dma_start3A_329 = arith.constant 0 : i32
    %dma_start3A_330 = tpu.memref_slice %arg7[%dma_start3A_326, %dma_start3A_328, %dma_start3A_329] : memref<16x200x16xf32, #tpu.memory_space<vmem>> -> memref<1x128x16xf32, #tpu.memory_space<vmem>>
    %dma_start3A_331 = tpu.memref_squeeze %dma_start3A_330 : memref<1x128x16xf32, #tpu.memory_space<vmem>> -> memref<128x16xf32, #tpu.memory_space<vmem>>
    %dma_start3A_332 = arith.constant 2400 : i32
    %dma_start3A_333 = tpu.memref_slice %arg6[%dma_start3A_332] : memref<6400xi32, #tpu.memory_space<vmem>> -> memref<128xi32, #tpu.memory_space<vmem>>
    %dma_start3A_334 = arith.constant 0 : i32
    %dma_start3A_335 = arith.constant 0 : i32
    %dma_start3A_336 = tpu.memref_slice %arg3[%dma_start3A_334, %dma_start3A_335] : memref<100000x16xf32, #tpu.memory_space<hbm>> -> memref<100000x16xf32, #tpu.memory_space<hbm>>
    %dma_start3A_337 = tpu.memref_slice %arg10[%dma_start3A_327] : memref<16x!tpu.dma_semaphore, #tpu.memory_space<semaphore_mem>> -> memref<1x!tpu.dma_semaphore, #tpu.memory_space<semaphore_mem>>
    %dma_start3A_338 = tpu.memref_squeeze %dma_start3A_337 : memref<1x!tpu.dma_semaphore, #tpu.memory_space<semaphore_mem>> -> memref<!tpu.dma_semaphore, #tpu.memory_space<semaphore_mem>>
    tpu.enqueue_indirect_dma source(%dma_start3A_336 : memref<100000x16xf32, #tpu.memory_space<hbm>>) target(%dma_start3A_331 : memref<128x16xf32, #tpu.memory_space<vmem>>) offsets(%dma_start3A_333 : memref<128xi32, #tpu.memory_space<vmem>>) semaphore(%dma_start3A_338 : memref<!tpu.dma_semaphore, #tpu.memory_space<semaphore_mem>>)
    %dma_start3A_339 = arith.constant 12 : i32
    %dma_start3A_340 = arith.constant 12 : i32
    %dma_start3A_341 = arith.constant 128 : i32
    %dma_start3A_342 = arith.constant 0 : i32
    %dma_start3A_343 = tpu.memref_slice %arg7[%dma_start3A_339, %dma_start3A_341, %dma_start3A_342] : memref<16x200x16xf32, #tpu.memory_space<vmem>> -> memref<1x72x16xf32, #tpu.memory_space<vmem>>
    %dma_start3A_344 = tpu.memref_squeeze %dma_start3A_343 : memref<1x72x16xf32, #tpu.memory_space<vmem>> -> memref<72x16xf32, #tpu.memory_space<vmem>>
    %dma_start3A_345 = arith.constant 2528 : i32
    %dma_start3A_346 = tpu.memref_slice %arg6[%dma_start3A_345] : memref<6400xi32, #tpu.memory_space<vmem>> -> memref<72xi32, #tpu.memory_space<vmem>>
    %dma_start3A_347 = arith.constant 0 : i32
    %dma_start3A_348 = arith.constant 0 : i32
    %dma_start3A_349 = tpu.memref_slice %arg3[%dma_start3A_347, %dma_start3A_348] : memref<100000x16xf32, #tpu.memory_space<hbm>> -> memref<100000x16xf32, #tpu.memory_space<hbm>>
    %dma_start3A_350 = tpu.memref_slice %arg10[%dma_start3A_340] : memref<16x!tpu.dma_semaphore, #tpu.memory_space<semaphore_mem>> -> memref<1x!tpu.dma_semaphore, #tpu.memory_space<semaphore_mem>>
    %dma_start3A_351 = tpu.memref_squeeze %dma_start3A_350 : memref<1x!tpu.dma_semaphore, #tpu.memory_space<semaphore_mem>> -> memref<!tpu.dma_semaphore, #tpu.memory_space<semaphore_mem>>
    tpu.enqueue_indirect_dma source(%dma_start3A_349 : memref<100000x16xf32, #tpu.memory_space<hbm>>) target(%dma_start3A_344 : memref<72x16xf32, #tpu.memory_space<vmem>>) offsets(%dma_start3A_346 : memref<72xi32, #tpu.memory_space<vmem>>) semaphore(%dma_start3A_351 : memref<!tpu.dma_semaphore, #tpu.memory_space<semaphore_mem>>)
    %dma_start3A_352 = arith.constant 13 : i32
    %dma_start3A_353 = arith.constant 13 : i32
    %dma_start3A_354 = arith.constant 0 : i32
    %dma_start3A_355 = arith.constant 0 : i32
    %dma_start3A_356 = tpu.memref_slice %arg7[%dma_start3A_352, %dma_start3A_354, %dma_start3A_355] : memref<16x200x16xf32, #tpu.memory_space<vmem>> -> memref<1x128x16xf32, #tpu.memory_space<vmem>>
    %dma_start3A_357 = tpu.memref_squeeze %dma_start3A_356 : memref<1x128x16xf32, #tpu.memory_space<vmem>> -> memref<128x16xf32, #tpu.memory_space<vmem>>
    %dma_start3A_358 = arith.constant 2600 : i32
    %dma_start3A_359 = tpu.memref_slice %arg6[%dma_start3A_358] : memref<6400xi32, #tpu.memory_space<vmem>> -> memref<128xi32, #tpu.memory_space<vmem>>
    %dma_start3A_360 = arith.constant 0 : i32
    %dma_start3A_361 = arith.constant 0 : i32
    %dma_start3A_362 = tpu.memref_slice %arg3[%dma_start3A_360, %dma_start3A_361] : memref<100000x16xf32, #tpu.memory_space<hbm>> -> memref<100000x16xf32, #tpu.memory_space<hbm>>
    %dma_start3A_363 = tpu.memref_slice %arg10[%dma_start3A_353] : memref<16x!tpu.dma_semaphore, #tpu.memory_space<semaphore_mem>> -> memref<1x!tpu.dma_semaphore, #tpu.memory_space<semaphore_mem>>
    %dma_start3A_364 = tpu.memref_squeeze %dma_start3A_363 : memref<1x!tpu.dma_semaphore, #tpu.memory_space<semaphore_mem>> -> memref<!tpu.dma_semaphore, #tpu.memory_space<semaphore_mem>>
    tpu.enqueue_indirect_dma source(%dma_start3A_362 : memref<100000x16xf32, #tpu.memory_space<hbm>>) target(%dma_start3A_357 : memref<128x16xf32, #tpu.memory_space<vmem>>) offsets(%dma_start3A_359 : memref<128xi32, #tpu.memory_space<vmem>>) semaphore(%dma_start3A_364 : memref<!tpu.dma_semaphore, #tpu.memory_space<semaphore_mem>>)
    %dma_start3A_365 = arith.constant 13 : i32
    %dma_start3A_366 = arith.constant 13 : i32
    %dma_start3A_367 = arith.constant 128 : i32
    %dma_start3A_368 = arith.constant 0 : i32
    %dma_start3A_369 = tpu.memref_slice %arg7[%dma_start3A_365, %dma_start3A_367, %dma_start3A_368] : memref<16x200x16xf32, #tpu.memory_space<vmem>> -> memref<1x72x16xf32, #tpu.memory_space<vmem>>
    %dma_start3A_370 = tpu.memref_squeeze %dma_start3A_369 : memref<1x72x16xf32, #tpu.memory_space<vmem>> -> memref<72x16xf32, #tpu.memory_space<vmem>>
    %dma_start3A_371 = arith.constant 2728 : i32
    %dma_start3A_372 = tpu.memref_slice %arg6[%dma_start3A_371] : memref<6400xi32, #tpu.memory_space<vmem>> -> memref<72xi32, #tpu.memory_space<vmem>>
    %dma_start3A_373 = arith.constant 0 : i32
    %dma_start3A_374 = arith.constant 0 : i32
    %dma_start3A_375 = tpu.memref_slice %arg3[%dma_start3A_373, %dma_start3A_374] : memref<100000x16xf32, #tpu.memory_space<hbm>> -> memref<100000x16xf32, #tpu.memory_space<hbm>>
    %dma_start3A_376 = tpu.memref_slice %arg10[%dma_start3A_366] : memref<16x!tpu.dma_semaphore, #tpu.memory_space<semaphore_mem>> -> memref<1x!tpu.dma_semaphore, #tpu.memory_space<semaphore_mem>>
    %dma_start3A_377 = tpu.memref_squeeze %dma_start3A_376 : memref<1x!tpu.dma_semaphore, #tpu.memory_space<semaphore_mem>> -> memref<!tpu.dma_semaphore, #tpu.memory_space<semaphore_mem>>
    tpu.enqueue_indirect_dma source(%dma_start3A_375 : memref<100000x16xf32, #tpu.memory_space<hbm>>) target(%dma_start3A_370 : memref<72x16xf32, #tpu.memory_space<vmem>>) offsets(%dma_start3A_372 : memref<72xi32, #tpu.memory_space<vmem>>) semaphore(%dma_start3A_377 : memref<!tpu.dma_semaphore, #tpu.memory_space<semaphore_mem>>)
    %dma_start3A_378 = arith.constant 14 : i32
    %dma_start3A_379 = arith.constant 14 : i32
    %dma_start3A_380 = arith.constant 0 : i32
    %dma_start3A_381 = arith.constant 0 : i32
    %dma_start3A_382 = tpu.memref_slice %arg7[%dma_start3A_378, %dma_start3A_380, %dma_start3A_381] : memref<16x200x16xf32, #tpu.memory_space<vmem>> -> memref<1x128x16xf32, #tpu.memory_space<vmem>>
    %dma_start3A_383 = tpu.memref_squeeze %dma_start3A_382 : memref<1x128x16xf32, #tpu.memory_space<vmem>> -> memref<128x16xf32, #tpu.memory_space<vmem>>
    %dma_start3A_384 = arith.constant 2800 : i32
    %dma_start3A_385 = tpu.memref_slice %arg6[%dma_start3A_384] : memref<6400xi32, #tpu.memory_space<vmem>> -> memref<128xi32, #tpu.memory_space<vmem>>
    %dma_start3A_386 = arith.constant 0 : i32
    %dma_start3A_387 = arith.constant 0 : i32
    %dma_start3A_388 = tpu.memref_slice %arg3[%dma_start3A_386, %dma_start3A_387] : memref<100000x16xf32, #tpu.memory_space<hbm>> -> memref<100000x16xf32, #tpu.memory_space<hbm>>
    %dma_start3A_389 = tpu.memref_slice %arg10[%dma_start3A_379] : memref<16x!tpu.dma_semaphore, #tpu.memory_space<semaphore_mem>> -> memref<1x!tpu.dma_semaphore, #tpu.memory_space<semaphore_mem>>
    %dma_start3A_390 = tpu.memref_squeeze %dma_start3A_389 : memref<1x!tpu.dma_semaphore, #tpu.memory_space<semaphore_mem>> -> memref<!tpu.dma_semaphore, #tpu.memory_space<semaphore_mem>>
    tpu.enqueue_indirect_dma source(%dma_start3A_388 : memref<100000x16xf32, #tpu.memory_space<hbm>>) target(%dma_start3A_383 : memref<128x16xf32, #tpu.memory_space<vmem>>) offsets(%dma_start3A_385 : memref<128xi32, #tpu.memory_space<vmem>>) semaphore(%dma_start3A_390 : memref<!tpu.dma_semaphore, #tpu.memory_space<semaphore_mem>>)
    %dma_start3A_391 = arith.constant 14 : i32
    %dma_start3A_392 = arith.constant 14 : i32
    %dma_start3A_393 = arith.constant 128 : i32
    %dma_start3A_394 = arith.constant 0 : i32
    %dma_start3A_395 = tpu.memref_slice %arg7[%dma_start3A_391, %dma_start3A_393, %dma_start3A_394] : memref<16x200x16xf32, #tpu.memory_space<vmem>> -> memref<1x72x16xf32, #tpu.memory_space<vmem>>
    %dma_start3A_396 = tpu.memref_squeeze %dma_start3A_395 : memref<1x72x16xf32, #tpu.memory_space<vmem>> -> memref<72x16xf32, #tpu.memory_space<vmem>>
    %dma_start3A_397 = arith.constant 2928 : i32
    %dma_start3A_398 = tpu.memref_slice %arg6[%dma_start3A_397] : memref<6400xi32, #tpu.memory_space<vmem>> -> memref<72xi32, #tpu.memory_space<vmem>>
    %dma_start3A_399 = arith.constant 0 : i32
    %dma_start3A_400 = arith.constant 0 : i32
    %dma_start3A_401 = tpu.memref_slice %arg3[%dma_start3A_399, %dma_start3A_400] : memref<100000x16xf32, #tpu.memory_space<hbm>> -> memref<100000x16xf32, #tpu.memory_space<hbm>>
    %dma_start3A_402 = tpu.memref_slice %arg10[%dma_start3A_392] : memref<16x!tpu.dma_semaphore, #tpu.memory_space<semaphore_mem>> -> memref<1x!tpu.dma_semaphore, #tpu.memory_space<semaphore_mem>>
    %dma_start3A_403 = tpu.memref_squeeze %dma_start3A_402 : memref<1x!tpu.dma_semaphore, #tpu.memory_space<semaphore_mem>> -> memref<!tpu.dma_semaphore, #tpu.memory_space<semaphore_mem>>
    tpu.enqueue_indirect_dma source(%dma_start3A_401 : memref<100000x16xf32, #tpu.memory_space<hbm>>) target(%dma_start3A_396 : memref<72x16xf32, #tpu.memory_space<vmem>>) offsets(%dma_start3A_398 : memref<72xi32, #tpu.memory_space<vmem>>) semaphore(%dma_start3A_403 : memref<!tpu.dma_semaphore, #tpu.memory_space<semaphore_mem>>)
    %dma_start3A_404 = arith.constant 15 : i32
    %dma_start3A_405 = arith.constant 15 : i32
    %dma_start3A_406 = arith.constant 0 : i32
    %dma_start3A_407 = arith.constant 0 : i32
    %dma_start3A_408 = tpu.memref_slice %arg7[%dma_start3A_404, %dma_start3A_406, %dma_start3A_407] : memref<16x200x16xf32, #tpu.memory_space<vmem>> -> memref<1x128x16xf32, #tpu.memory_space<vmem>>
    %dma_start3A_409 = tpu.memref_squeeze %dma_start3A_408 : memref<1x128x16xf32, #tpu.memory_space<vmem>> -> memref<128x16xf32, #tpu.memory_space<vmem>>
    %dma_start3A_410 = arith.constant 3000 : i32
    %dma_start3A_411 = tpu.memref_slice %arg6[%dma_start3A_410] : memref<6400xi32, #tpu.memory_space<vmem>> -> memref<128xi32, #tpu.memory_space<vmem>>
    %dma_start3A_412 = arith.constant 0 : i32
    %dma_start3A_413 = arith.constant 0 : i32
    %dma_start3A_414 = tpu.memref_slice %arg3[%dma_start3A_412, %dma_start3A_413] : memref<100000x16xf32, #tpu.memory_space<hbm>> -> memref<100000x16xf32, #tpu.memory_space<hbm>>
    %dma_start3A_415 = tpu.memref_slice %arg10[%dma_start3A_405] : memref<16x!tpu.dma_semaphore, #tpu.memory_space<semaphore_mem>> -> memref<1x!tpu.dma_semaphore, #tpu.memory_space<semaphore_mem>>
    %dma_start3A_416 = tpu.memref_squeeze %dma_start3A_415 : memref<1x!tpu.dma_semaphore, #tpu.memory_space<semaphore_mem>> -> memref<!tpu.dma_semaphore, #tpu.memory_space<semaphore_mem>>
    tpu.enqueue_indirect_dma source(%dma_start3A_414 : memref<100000x16xf32, #tpu.memory_space<hbm>>) target(%dma_start3A_409 : memref<128x16xf32, #tpu.memory_space<vmem>>) offsets(%dma_start3A_411 : memref<128xi32, #tpu.memory_space<vmem>>) semaphore(%dma_start3A_416 : memref<!tpu.dma_semaphore, #tpu.memory_space<semaphore_mem>>)
    %dma_start3A_417 = arith.constant 15 : i32
    %dma_start3A_418 = arith.constant 15 : i32
    %dma_start3A_419 = arith.constant 128 : i32
    %dma_start3A_420 = arith.constant 0 : i32
    %dma_start3A_421 = tpu.memref_slice %arg7[%dma_start3A_417, %dma_start3A_419, %dma_start3A_420] : memref<16x200x16xf32, #tpu.memory_space<vmem>> -> memref<1x72x16xf32, #tpu.memory_space<vmem>>
    %dma_start3A_422 = tpu.memref_squeeze %dma_start3A_421 : memref<1x72x16xf32, #tpu.memory_space<vmem>> -> memref<72x16xf32, #tpu.memory_space<vmem>>
    %dma_start3A_423 = arith.constant 3128 : i32
    %dma_start3A_424 = tpu.memref_slice %arg6[%dma_start3A_423] : memref<6400xi32, #tpu.memory_space<vmem>> -> memref<72xi32, #tpu.memory_space<vmem>>
    %dma_start3A_425 = arith.constant 0 : i32
    %dma_start3A_426 = arith.constant 0 : i32
    %dma_start3A_427 = tpu.memref_slice %arg3[%dma_start3A_425, %dma_start3A_426] : memref<100000x16xf32, #tpu.memory_space<hbm>> -> memref<100000x16xf32, #tpu.memory_space<hbm>>
    %dma_start3A_428 = tpu.memref_slice %arg10[%dma_start3A_418] : memref<16x!tpu.dma_semaphore, #tpu.memory_space<semaphore_mem>> -> memref<1x!tpu.dma_semaphore, #tpu.memory_space<semaphore_mem>>
    %dma_start3A_429 = tpu.memref_squeeze %dma_start3A_428 : memref<1x!tpu.dma_semaphore, #tpu.memory_space<semaphore_mem>> -> memref<!tpu.dma_semaphore, #tpu.memory_space<semaphore_mem>>
    tpu.enqueue_indirect_dma source(%dma_start3A_427 : memref<100000x16xf32, #tpu.memory_space<hbm>>) target(%dma_start3A_422 : memref<72x16xf32, #tpu.memory_space<vmem>>) offsets(%dma_start3A_424 : memref<72xi32, #tpu.memory_space<vmem>>) semaphore(%dma_start3A_429 : memref<!tpu.dma_semaphore, #tpu.memory_space<semaphore_mem>>)
    %dma_wait3A = arith.constant 3200 : i32
    %dma_wait3A_430 = tpu.memref_slice %arg6[%dma_wait3A] : memref<6400xi32, #tpu.memory_space<vmem>> -> memref<3200xi32, #tpu.memory_space<vmem>>
    %dma_wait3A_431 = tpu.memref_slice %arg2[%add3A_8] : memref<204800xi32, #tpu.memory_space<hbm>> -> memref<3200xi32, #tpu.memory_space<hbm>>
    %dma_wait3A_432 = arith.constant 3200 : i32
    %dma_wait3A_433 = tpu.memref_slice %arg6[%dma_wait3A_432] : memref<6400xi32, #tpu.memory_space<vmem>> -> memref<3200xi32, #tpu.memory_space<vmem>>
    %dma_wait3A_434 = tpu.memref_slice %arg2[%add3A_8] : memref<204800xi32, #tpu.memory_space<hbm>> -> memref<3200xi32, #tpu.memory_space<hbm>>
    tpu.wait_dma2 semaphore(%arg11 : memref<!tpu.dma_semaphore, #tpu.memory_space<semaphore_mem>>) src(%dma_wait3A_434 : memref<3200xi32, #tpu.memory_space<hbm>>) dst(%dma_wait3A_433 : memref<3200xi32, #tpu.memory_space<vmem>>)
    tpu.enqueue_dma source(%arg4 : memref<16xf32, #tpu.memory_space<hbm>>) target(%arg9 : memref<16xf32, #tpu.memory_space<vmem>>) target_semaphore(%arg11 : memref<!tpu.dma_semaphore, #tpu.memory_space<semaphore_mem>>)
    tpu.wait_dma2 semaphore(%arg11 : memref<!tpu.dma_semaphore, #tpu.memory_space<semaphore_mem>>) src(%arg4 : memref<16xf32, #tpu.memory_space<hbm>>) dst(%arg9 : memref<16xf32, #tpu.memory_space<vmem>>)
    %scan3A = arith.constant 0 : i32
    %scan3A_435 = arith.constant 0 : i32
    %scan3A_436 = arith.constant 32 : i32
    %scan3A_437 = arith.addi %scan3A_435, %scan3A_436 : i32
    %scan3A_438 = arith.constant 1 : i32
    scf.for %scan3A_440 = %scan3A_435 to %scan3A_437 step %scan3A_438  : i32 {
      %rem3A = arith.constant 16 : i32
      %rem3A_441 = arith.remsi %scan3A_440, %rem3A : i32
      %mul3A_442 = arith.constant 200 : i32
      %mul3A_443 = arith.muli %scan3A_440, %mul3A_442 : i32
      %add3A_444 = arith.constant 0 : i32
      %add3A_445 = arith.addi %mul3A_443, %add3A_444 : i32
      %dma_wait3A_446 = arith.constant 0 : i32
      %dma_wait3A_447 = arith.constant 0 : i32
      %dma_wait3A_448 = tpu.memref_slice %arg7[%rem3A_441, %dma_wait3A_446, %dma_wait3A_447] : memref<16x200x16xf32, #tpu.memory_space<vmem>> -> memref<1x128x16xf32, #tpu.memory_space<vmem>>
      %dma_wait3A_449 = tpu.memref_squeeze %dma_wait3A_448 : memref<1x128x16xf32, #tpu.memory_space<vmem>> -> memref<128x16xf32, #tpu.memory_space<vmem>>
      %dma_wait3A_450 = tpu.memref_slice %arg6[%add3A_445] : memref<6400xi32, #tpu.memory_space<vmem>> -> memref<128xi32, #tpu.memory_space<vmem>>
      %dma_wait3A_451 = arith.constant 0 : i32
      %dma_wait3A_452 = arith.constant 0 : i32
      %dma_wait3A_453 = tpu.memref_slice %arg3[%dma_wait3A_451, %dma_wait3A_452] : memref<100000x16xf32, #tpu.memory_space<hbm>> -> memref<100000x16xf32, #tpu.memory_space<hbm>>
      %dma_wait3A_454 = tpu.memref_slice %arg10[%rem3A_441] : memref<16x!tpu.dma_semaphore, #tpu.memory_space<semaphore_mem>> -> memref<1x!tpu.dma_semaphore, #tpu.memory_space<semaphore_mem>>
      %dma_wait3A_455 = tpu.memref_squeeze %dma_wait3A_454 : memref<1x!tpu.dma_semaphore, #tpu.memory_space<semaphore_mem>> -> memref<!tpu.dma_semaphore, #tpu.memory_space<semaphore_mem>>
      tpu.wait_indirect_dma semaphore(%dma_wait3A_455 : memref<!tpu.dma_semaphore, #tpu.memory_space<semaphore_mem>>) src(%dma_wait3A_453 : memref<100000x16xf32, #tpu.memory_space<hbm>>) dst(%dma_wait3A_449 : memref<128x16xf32, #tpu.memory_space<vmem>>)
      %mul3A_456 = arith.constant 200 : i32
      %mul3A_457 = arith.muli %scan3A_440, %mul3A_456 : i32
      %add3A_458 = arith.constant 128 : i32
      %add3A_459 = arith.addi %mul3A_457, %add3A_458 : i32
      %dma_wait3A_460 = arith.constant 128 : i32
      %dma_wait3A_461 = arith.constant 0 : i32
      %dma_wait3A_462 = tpu.memref_slice %arg7[%rem3A_441, %dma_wait3A_460, %dma_wait3A_461] : memref<16x200x16xf32, #tpu.memory_space<vmem>> -> memref<1x72x16xf32, #tpu.memory_space<vmem>>
      %dma_wait3A_463 = tpu.memref_squeeze %dma_wait3A_462 : memref<1x72x16xf32, #tpu.memory_space<vmem>> -> memref<72x16xf32, #tpu.memory_space<vmem>>
      %dma_wait3A_464 = tpu.memref_slice %arg6[%add3A_459] : memref<6400xi32, #tpu.memory_space<vmem>> -> memref<72xi32, #tpu.memory_space<vmem>>
      %dma_wait3A_465 = arith.constant 0 : i32
      %dma_wait3A_466 = arith.constant 0 : i32
      %dma_wait3A_467 = tpu.memref_slice %arg3[%dma_wait3A_465, %dma_wait3A_466] : memref<100000x16xf32, #tpu.memory_space<hbm>> -> memref<100000x16xf32, #tpu.memory_space<hbm>>
      %dma_wait3A_468 = tpu.memref_slice %arg10[%rem3A_441] : memref<16x!tpu.dma_semaphore, #tpu.memory_space<semaphore_mem>> -> memref<1x!tpu.dma_semaphore, #tpu.memory_space<semaphore_mem>>
      %dma_wait3A_469 = tpu.memref_squeeze %dma_wait3A_468 : memref<1x!tpu.dma_semaphore, #tpu.memory_space<semaphore_mem>> -> memref<!tpu.dma_semaphore, #tpu.memory_space<semaphore_mem>>
      tpu.wait_indirect_dma semaphore(%dma_wait3A_469 : memref<!tpu.dma_semaphore, #tpu.memory_space<semaphore_mem>>) src(%dma_wait3A_467 : memref<100000x16xf32, #tpu.memory_space<hbm>>) dst(%dma_wait3A_463 : memref<72x16xf32, #tpu.memory_space<vmem>>)
      %add3A_470 = arith.constant 16 : i32
      %add3A_471 = arith.addi %scan3A_440, %add3A_470 : i32
      %lt3A = arith.constant 32 : i32
      %lt3A_472 = arith.cmpi slt, %add3A_471, %lt3A : i32
      %convert_element_type3A = arith.extui %lt3A_472 : i1 to i32
      %cond3A = arith.constant 0 : i32
      %cond3A_473 = arith.cmpi ne, %convert_element_type3A, %cond3A : i32
      scf.if %cond3A_473 {
        %add3A_494 = arith.constant 16 : i32
        %add3A_495 = arith.addi %scan3A_440, %add3A_494 : i32
        %mul3A_496 = arith.constant 200 : i32
        %mul3A_497 = arith.muli %add3A_495, %mul3A_496 : i32
        %add3A_498 = arith.constant 0 : i32
        %add3A_499 = arith.addi %mul3A_497, %add3A_498 : i32
        %dma_start3A_500 = arith.constant 0 : i32
        %dma_start3A_501 = arith.constant 0 : i32
        %dma_start3A_502 = tpu.memref_slice %arg7[%rem3A_441, %dma_start3A_500, %dma_start3A_501] : memref<16x200x16xf32, #tpu.memory_space<vmem>> -> memref<1x128x16xf32, #tpu.memory_space<vmem>>
        %dma_start3A_503 = tpu.memref_squeeze %dma_start3A_502 : memref<1x128x16xf32, #tpu.memory_space<vmem>> -> memref<128x16xf32, #tpu.memory_space<vmem>>
        %dma_start3A_504 = tpu.memref_slice %arg6[%add3A_499] : memref<6400xi32, #tpu.memory_space<vmem>> -> memref<128xi32, #tpu.memory_space<vmem>>
        %dma_start3A_505 = arith.constant 0 : i32
        %dma_start3A_506 = arith.constant 0 : i32
        %dma_start3A_507 = tpu.memref_slice %arg3[%dma_start3A_505, %dma_start3A_506] : memref<100000x16xf32, #tpu.memory_space<hbm>> -> memref<100000x16xf32, #tpu.memory_space<hbm>>
        %dma_start3A_508 = tpu.memref_slice %arg10[%rem3A_441] : memref<16x!tpu.dma_semaphore, #tpu.memory_space<semaphore_mem>> -> memref<1x!tpu.dma_semaphore, #tpu.memory_space<semaphore_mem>>
        %dma_start3A_509 = tpu.memref_squeeze %dma_start3A_508 : memref<1x!tpu.dma_semaphore, #tpu.memory_space<semaphore_mem>> -> memref<!tpu.dma_semaphore, #tpu.memory_space<semaphore_mem>>
        tpu.enqueue_indirect_dma source(%dma_start3A_507 : memref<100000x16xf32, #tpu.memory_space<hbm>>) target(%dma_start3A_503 : memref<128x16xf32, #tpu.memory_space<vmem>>) offsets(%dma_start3A_504 : memref<128xi32, #tpu.memory_space<vmem>>) semaphore(%dma_start3A_509 : memref<!tpu.dma_semaphore, #tpu.memory_space<semaphore_mem>>)
        %mul3A_510 = arith.constant 200 : i32
        %mul3A_511 = arith.muli %add3A_495, %mul3A_510 : i32
        %add3A_512 = arith.constant 128 : i32
        %add3A_513 = arith.addi %mul3A_511, %add3A_512 : i32
        %dma_start3A_514 = arith.constant 128 : i32
        %dma_start3A_515 = arith.constant 0 : i32
        %dma_start3A_516 = tpu.memref_slice %arg7[%rem3A_441, %dma_start3A_514, %dma_start3A_515] : memref<16x200x16xf32, #tpu.memory_space<vmem>> -> memref<1x72x16xf32, #tpu.memory_space<vmem>>
        %dma_start3A_517 = tpu.memref_squeeze %dma_start3A_516 : memref<1x72x16xf32, #tpu.memory_space<vmem>> -> memref<72x16xf32, #tpu.memory_space<vmem>>
        %dma_start3A_518 = tpu.memref_slice %arg6[%add3A_513] : memref<6400xi32, #tpu.memory_space<vmem>> -> memref<72xi32, #tpu.memory_space<vmem>>
        %dma_start3A_519 = arith.constant 0 : i32
        %dma_start3A_520 = arith.constant 0 : i32
        %dma_start3A_521 = tpu.memref_slice %arg3[%dma_start3A_519, %dma_start3A_520] : memref<100000x16xf32, #tpu.memory_space<hbm>> -> memref<100000x16xf32, #tpu.memory_space<hbm>>
        %dma_start3A_522 = tpu.memref_slice %arg10[%rem3A_441] : memref<16x!tpu.dma_semaphore, #tpu.memory_space<semaphore_mem>> -> memref<1x!tpu.dma_semaphore, #tpu.memory_space<semaphore_mem>>
        %dma_start3A_523 = tpu.memref_squeeze %dma_start3A_522 : memref<1x!tpu.dma_semaphore, #tpu.memory_space<semaphore_mem>> -> memref<!tpu.dma_semaphore, #tpu.memory_space<semaphore_mem>>
        tpu.enqueue_indirect_dma source(%dma_start3A_521 : memref<100000x16xf32, #tpu.memory_space<hbm>>) target(%dma_start3A_517 : memref<72x16xf32, #tpu.memory_space<vmem>>) offsets(%dma_start3A_518 : memref<72xi32, #tpu.memory_space<vmem>>) semaphore(%dma_start3A_523 : memref<!tpu.dma_semaphore, #tpu.memory_space<semaphore_mem>>)
      } else {
      }
      %broadcast_in_dim3A = arith.constant 0.000000e+00 : f32
      %broadcast_in_dim3A_474 = vector.broadcast %broadcast_in_dim3A : f32 to vector<16xf32>
      %get3A = arith.constant 0 : index
      %get3A_475 = tpu.vector_load %arg9[%get3A] {strides = array<i32>} : memref<16xf32, #tpu.memory_space<vmem>>, vector<16xf32>,
      %get3A_476 = vector.shape_cast %get3A_475 : vector<16xf32> to vector<16xf32>
      %scan3A_477 = arith.constant 0 : i32
      %scan3A_478 = arith.constant 25 : i32
      %scan3A_479 = arith.addi %scan3A_477, %scan3A_478 : i32
      %scan3A_480 = arith.constant 1 : i32
      %scan3A_481:8 = scf.for %scan3A_494 = %scan3A_477 to %scan3A_479 step %scan3A_480 iter_args(%scan3A_495 = %get3A_476, %scan3A_496 = %broadcast_in_dim3A_474, %scan3A_497 = %broadcast_in_dim3A_474, %scan3A_498 = %broadcast_in_dim3A_474, %scan3A_499 = %broadcast_in_dim3A_474, %scan3A_500 = %broadcast_in_dim3A_474, %scan3A_501 = %broadcast_in_dim3A_474, %scan3A_502 = %broadcast_in_dim3A_474) -> (vector<16xf32>, vector<16xf32>, vector<16xf32>, vector<16xf32>, vector<16xf32>, vector<16xf32>, vector<16xf32>, vector<16xf32>)  : i32 {
        %mul3A_503 = arith.constant 8 : i32
        %mul3A_504 = arith.muli %scan3A_494, %mul3A_503 : i32
        %add3A_505 = arith.constant 0 : i32
        %add3A_506 = arith.addi %mul3A_504, %add3A_505 : i32
        %get3A_507 = arith.index_cast %rem3A_441 : i32 to index
        %get3A_508 = arith.index_cast %add3A_506 : i32 to index
        %get3A_509 = arith.constant 0 : index
        %get3A_510 = tpu.vector_load %arg7[%get3A_507, %get3A_508, %get3A_509] {strides = array<i32>} : memref<16x200x16xf32, #tpu.memory_space<vmem>>, vector<1x1x16xf32>,
        %get3A_511 = vector.shape_cast %get3A_510 : vector<1x1x16xf32> to vector<16xf32>
        %add3A_512 = arith.addf %scan3A_495, %get3A_511 : vector<16xf32>
        %add3A_513 = arith.constant 1 : i32
        %add3A_514 = arith.addi %mul3A_504, %add3A_513 : i32
        %get3A_515 = arith.index_cast %rem3A_441 : i32 to index
        %get3A_516 = arith.index_cast %add3A_514 : i32 to index
        %get3A_517 = arith.constant 0 : index
        %get3A_518 = tpu.vector_load %arg7[%get3A_515, %get3A_516, %get3A_517] {strides = array<i32>} : memref<16x200x16xf32, #tpu.memory_space<vmem>>, vector<1x1x16xf32>,
        %get3A_519 = vector.shape_cast %get3A_518 : vector<1x1x16xf32> to vector<16xf32>
        %add3A_520 = arith.addf %scan3A_496, %get3A_519 : vector<16xf32>
        %add3A_521 = arith.constant 2 : i32
        %add3A_522 = arith.addi %mul3A_504, %add3A_521 : i32
        %get3A_523 = arith.index_cast %rem3A_441 : i32 to index
        %get3A_524 = arith.index_cast %add3A_522 : i32 to index
        %get3A_525 = arith.constant 0 : index
        %get3A_526 = tpu.vector_load %arg7[%get3A_523, %get3A_524, %get3A_525] {strides = array<i32>} : memref<16x200x16xf32, #tpu.memory_space<vmem>>, vector<1x1x16xf32>,
        %get3A_527 = vector.shape_cast %get3A_526 : vector<1x1x16xf32> to vector<16xf32>
        %add3A_528 = arith.addf %scan3A_497, %get3A_527 : vector<16xf32>
        %add3A_529 = arith.constant 3 : i32
        %add3A_530 = arith.addi %mul3A_504, %add3A_529 : i32
        %get3A_531 = arith.index_cast %rem3A_441 : i32 to index
        %get3A_532 = arith.index_cast %add3A_530 : i32 to index
        %get3A_533 = arith.constant 0 : index
        %get3A_534 = tpu.vector_load %arg7[%get3A_531, %get3A_532, %get3A_533] {strides = array<i32>} : memref<16x200x16xf32, #tpu.memory_space<vmem>>, vector<1x1x16xf32>,
        %get3A_535 = vector.shape_cast %get3A_534 : vector<1x1x16xf32> to vector<16xf32>
        %add3A_536 = arith.addf %scan3A_498, %get3A_535 : vector<16xf32>
        %add3A_537 = arith.constant 4 : i32
        %add3A_538 = arith.addi %mul3A_504, %add3A_537 : i32
        %get3A_539 = arith.index_cast %rem3A_441 : i32 to index
        %get3A_540 = arith.index_cast %add3A_538 : i32 to index
        %get3A_541 = arith.constant 0 : index
        %get3A_542 = tpu.vector_load %arg7[%get3A_539, %get3A_540, %get3A_541] {strides = array<i32>} : memref<16x200x16xf32, #tpu.memory_space<vmem>>, vector<1x1x16xf32>,
        %get3A_543 = vector.shape_cast %get3A_542 : vector<1x1x16xf32> to vector<16xf32>
        %add3A_544 = arith.addf %scan3A_499, %get3A_543 : vector<16xf32>
        %add3A_545 = arith.constant 5 : i32
        %add3A_546 = arith.addi %mul3A_504, %add3A_545 : i32
        %get3A_547 = arith.index_cast %rem3A_441 : i32 to index
        %get3A_548 = arith.index_cast %add3A_546 : i32 to index
        %get3A_549 = arith.constant 0 : index
        %get3A_550 = tpu.vector_load %arg7[%get3A_547, %get3A_548, %get3A_549] {strides = array<i32>} : memref<16x200x16xf32, #tpu.memory_space<vmem>>, vector<1x1x16xf32>,
        %get3A_551 = vector.shape_cast %get3A_550 : vector<1x1x16xf32> to vector<16xf32>
        %add3A_552 = arith.addf %scan3A_500, %get3A_551 : vector<16xf32>
        %add3A_553 = arith.constant 6 : i32
        %add3A_554 = arith.addi %mul3A_504, %add3A_553 : i32
        %get3A_555 = arith.index_cast %rem3A_441 : i32 to index
        %get3A_556 = arith.index_cast %add3A_554 : i32 to index
        %get3A_557 = arith.constant 0 : index
        %get3A_558 = tpu.vector_load %arg7[%get3A_555, %get3A_556, %get3A_557] {strides = array<i32>} : memref<16x200x16xf32, #tpu.memory_space<vmem>>, vector<1x1x16xf32>,
        %get3A_559 = vector.shape_cast %get3A_558 : vector<1x1x16xf32> to vector<16xf32>
        %add3A_560 = arith.addf %scan3A_501, %get3A_559 : vector<16xf32>
        %add3A_561 = arith.constant 7 : i32
        %add3A_562 = arith.addi %mul3A_504, %add3A_561 : i32
        %get3A_563 = arith.index_cast %rem3A_441 : i32 to index
        %get3A_564 = arith.index_cast %add3A_562 : i32 to index
        %get3A_565 = arith.constant 0 : index
        %get3A_566 = tpu.vector_load %arg7[%get3A_563, %get3A_564, %get3A_565] {strides = array<i32>} : memref<16x200x16xf32, #tpu.memory_space<vmem>>, vector<1x1x16xf32>,
        %get3A_567 = vector.shape_cast %get3A_566 : vector<1x1x16xf32> to vector<16xf32>
        %add3A_568 = arith.addf %scan3A_502, %get3A_567 : vector<16xf32>
        scf.yield %add3A_512, %add3A_520, %add3A_528, %add3A_536, %add3A_544, %add3A_552, %add3A_560, %add3A_568 : vector<16xf32>, vector<16xf32>, vector<16xf32>, vector<16xf32>, vector<16xf32>, vector<16xf32>, vector<16xf32>, vector<16xf32>
      }
      %scan3A_482 = arith.constant 25 : i32
      %add3A_483 = arith.addf %scan3A_481#0, %scan3A_481#1 : vector<16xf32>
      %add3A_484 = arith.addf %add3A_483, %scan3A_481#2 : vector<16xf32>
      %add3A_485 = arith.addf %add3A_484, %scan3A_481#3 : vector<16xf32>
      %add3A_486 = arith.addf %add3A_485, %scan3A_481#4 : vector<16xf32>
      %add3A_487 = arith.addf %add3A_486, %scan3A_481#5 : vector<16xf32>
      %add3A_488 = arith.addf %add3A_487, %scan3A_481#6 : vector<16xf32>
      %add3A_489 = arith.addf %add3A_488, %scan3A_481#7 : vector<16xf32>
      %swap3A = arith.index_cast %scan3A_440 : i32 to index
      %swap3A_490 = arith.constant 0 : index
      %swap3A_491 = tpu.vector_load %arg8[%swap3A, %swap3A_490] {strides = array<i32>} : memref<32x16xf32, #tpu.memory_space<vmem>>, vector<1x16xf32>,
      %swap3A_492 = vector.shape_cast %swap3A_491 : vector<1x16xf32> to vector<16xf32>
      %swap3A_493 = vector.shape_cast %add3A_489 : vector<16xf32> to vector<1x16xf32>
      tpu.vector_store %arg8[%swap3A, %swap3A_490], %swap3A_493 {strides = array<i32>} : memref<32x16xf32, #tpu.memory_space<vmem>>, vector<1x16xf32>,
    }
    %scan3A_439 = arith.constant 32 : i32
    "tpu.region"() ({
      %run_scoped3A = tpu.sem_alloc : memref<!tpu.dma_semaphore, #tpu.memory_space<semaphore_mem>>
      %dma_start3A_440 = arith.constant 0 : i32
      %dma_start3A_441 = tpu.memref_slice %arg5[%mul3A_2, %dma_start3A_440] : memref<1024x16xf32, #tpu.memory_space<hbm>> -> memref<32x16xf32, #tpu.memory_space<hbm>>
      %dma_start3A_442 = arith.constant 0 : i32
      %dma_start3A_443 = tpu.memref_slice %arg5[%mul3A_2, %dma_start3A_442] : memref<1024x16xf32, #tpu.memory_space<hbm>> -> memref<32x16xf32, #tpu.memory_space<hbm>>
      tpu.enqueue_dma source(%arg8 : memref<32x16xf32, #tpu.memory_space<vmem>>) target(%dma_start3A_443 : memref<32x16xf32, #tpu.memory_space<hbm>>) target_semaphore(%run_scoped3A : memref<!tpu.dma_semaphore, #tpu.memory_space<semaphore_mem>>)
      %dma_wait3A_444 = arith.constant 0 : i32
      %dma_wait3A_445 = tpu.memref_slice %arg5[%mul3A_2, %dma_wait3A_444] : memref<1024x16xf32, #tpu.memory_space<hbm>> -> memref<32x16xf32, #tpu.memory_space<hbm>>
      %dma_wait3A_446 = arith.constant 0 : i32
      %dma_wait3A_447 = tpu.memref_slice %arg5[%mul3A_2, %dma_wait3A_446] : memref<1024x16xf32, #tpu.memory_space<hbm>> -> memref<32x16xf32, #tpu.memory_space<hbm>>
      tpu.wait_dma2 semaphore(%run_scoped3A : memref<!tpu.dma_semaphore, #tpu.memory_space<semaphore_mem>>) src(%arg8 : memref<32x16xf32, #tpu.memory_space<vmem>>) dst(%dma_wait3A_447 : memref<32x16xf32, #tpu.memory_space<hbm>>)
      tpu.yield
    }) : () -> ()
    return
  }
}

</mosaic_0001>

<sc_bundles>
// kernel: kernel.3.cloned.1.call-start
scs
__scs_entry_jumppad:
0x0: {  	(pc) =	sbr.rel $0x88, $3  }
0x1: {  	(tag) =	ssettag $0x0;
	lr =	simm.s32 $0x1  }
0x2: {  	[smem:$0x3F9E] =	sst lr;
	_ =	strace $0xD0000000  }
0x3: {  	_ = 	snop  }
0x4: {  	_ = 	snop  }
0x5: {  	_ = 	snop  }
0x6: {  	_ = 	snop  }
0x7: {  	_ = 	snop  }
__scs_overlays_trampoline_lowered:
0x8: {  	[smem:$0x3FAD] =	sst s0  }
0x9: {  	[smem:$0x3FAE] =	sst s1  }
0xa: {  	[smem:$0x3FAF] =	sst s2  }
0xb: {  	[smem:$0x3FB0] =	sst s3  }
0xc: {  	[smem:$0x3FB1] =	sst s4  }
0xd: {  	[smem:$0x3FB2] =	sst s5  }
0xe: {  	[smem:$0x3FB3] =	sst s6  }
0xf: {  	[smem:$0x3FB4] =	sst s7  }
0x10: {  	[smem:$0x3FB5] =	sst s8  }
0x11: {  	[smem:$0x3FB6] =	sst s9;
	s0 =	simm.s32 @!p0 $0x0  }
0x12: {  	s1 =	sld [smem:$0x3F9C];
	s0 =	simm.s32 @p0 $0x1  }
0x13: {  	[smem:$0x3FB7] =	sst s0;
	s0 =	simm.s32 @!p1 $0x0  }
0x14: {  	s2 =	sld [smem:$0x3F9B];
	s0 =	simm.s32 @p1 $0x1  }
0x15: {  	[smem:$0x3FB8] =	sst s0;
	s0 =	simm.s32 @!p2 $0x0  }
0x16: {  	s3 =	sld [smem:$0x3FDB];
	s0 =	simm.s32 @p2 $0x1  }
0x17: {  	s4 =	simm.s32 $0x1BF5;
	[smem:$0x3FBA] =	sst s0  }
0x18: {  	s0 =	sld [smem:$0x3F9D];
	_ =	swait.ge [sflag:s4], $0x0  }
0x19: {  	s7 =	sld [smem:$0x3F9E]  }
0x1a: {  	s8 =	sadd.s32 $0xFFFFE003, lr  }
0x1b: {  	s9 =	sadd.s32 $0xFFFFFEF7, lr;
	s5 =	simm.s32 $0xFFFFFFFF;
	p2 =	slt.u32 s8, $0xFFFFF086  }
0x1c: {  	p1 =	slt.u32 s9, $0xF7A;
	s5 =	simm.s32 @!p2 $0x0  }
0x1d: {  	s5 =	simm.s32 @p1 $0x1;
	p0 =	seq.s32 s7, s2  }
0x1e: {  	s7 =	smul.u32 @!p0 $0xF7A, s2;
	p2 =	seq.s32 @!p0 s5, $0x0  }
0x1f: {  	s9 =	smul.u32 $0xF7A, s1;
	s8 =	simm.s32 @!p0 $0x1BF5;
	p2 =	por !p2, p0  }
0x20: {  	[sflag:s8] =	ssyncset.s32 @!p0 $0xFFFFF086;
	s6 =	sadd.s32 @!p0 s3, s7;
	s7 =	simm.s32 @!p0 $0x108  }
0x21: {  	s3 =	sadd.s32 s3, s9;
	s6 =	sadd.s32 @!p0 $0x88, s6;
	s7 =	simm.s32 @p2 $0x1082  }
0x22: {  	[simem:s7], [sflag:s8] =	dma.local @!p0 [hbm:s6], $0xF7A  }
0x23: {  	s9 =	sor.u32 $0xD0000000, s2;
	s6 =	simm.s32 $0x108;
	_ =	swait.ge @!p0 [sflag:s8], $0x0  }
0x24: {  	s3 =	sadd.s32 $0x88, s3;
	s6 =	simm.s32 @!p1 $0x1082;
	[sflag:s4] =	ssyncset.s32 $0xFFFFF086  }
0x25: {  	[simem:s6], [sflag:s4] =	dma.local [hbm:s3], $0xF7A  }
0x26: {  	[smem:$0x3F9E] =	sst s1;
	(tag) =	ssettag s2;
	_ =	strace s9  }
0x27: {  	s1 =	sld [smem:$0x3FAE]  }
0x28: {  	s2 =	sld [smem:$0x3FAF]  }
0x29: {  	s4 =	sld [smem:$0x3FB1]  }
0x2a: {  	p0 =	seq.s32 s5, $0x0;
	s5 =	sld [smem:$0x3FB2]  }
0x2b: {  	s6 =	sld [smem:$0x3FB3]  }
0x2c: {  	s7 =	sld [smem:$0x3FB4]  }
0x2d: {  	s3 =	simm.s32 $0x108;
	s8 =	sld [smem:$0x3FB5]  }
0x2e: {  	s3 =	simm.s32 @!p0 $0x1082;
	s9 =	sld [smem:$0x3FB6]  }
0x2f: {  	lr =	sadd.s32 s0, s3;
	s0 =	sld [smem:$0x3FAD]  }
0x30: {  	s3 =	sld [smem:$0x3FB0]  }
0x31: {  	[smem:$0x3FB9] =	sst s10  }
0x32: {  	s10 =	sld [smem:$0x3FB7];
	_ =	sdelay $0x3  }
0x33: {  	p0 =	seq.s32 s10, $0x1;
	s10 =	sld [smem:$0x3FB9];
	_ =	sdelay $0x3  }
0x34: {  	[smem:$0x3FB9] =	sst s10  }
0x35: {  	s10 =	sld [smem:$0x3FB8];
	_ =	sdelay $0x3  }
0x36: {  	p1 =	seq.s32 s10, $0x1;
	s10 =	sld [smem:$0x3FB9];
	_ =	sdelay $0x3  }
0x37: {  	[smem:$0x3FB9] =	sst s10  }
0x38: {  	s10 =	sld [smem:$0x3FBA]  }
0x39: {  	_ = 	snop;
	(pc) =	sbr.ind lr, $3  }
0x3a: {  	_ = 	snop  }
0x3b: {  	_ = 	snop  }
0x3c: {  	p2 =	seq.s32 s10, $0x1;
	s10 =	sld [smem:$0x3FB9]  }
0x3d: {  	_ =	shalt  }
0x3e: {  	_ =	shalt  }
0x3f: {  	_ =	shalt  }
0x40: {  	_ =	shalt  }
0x41: {  	_ =	shalt  }
0x42: {  	_ =	shalt  }
0x43: {  	_ =	shalt  }
0x44: {  	_ =	shalt  }
0x45: {  	_ =	shalt  }
0x46: {  	_ =	shalt  }
0x47: {  	_ =	shalt  }
0x48: {  	_ =	shalt  }
0x49: {  	_ =	shalt  }
0x4a: {  	_ =	shalt  }
0x4b: {  	_ =	shalt  }
0x4c: {  	_ =	shalt  }
0x4d: {  	_ =	shalt  }
0x4e: {  	_ =	shalt  }
0x4f: {  	_ =	shalt  }
0x50: {  	_ =	shalt  }
0x51: {  	_ =	shalt  }
0x52: {  	_ =	shalt  }
0x53: {  	_ =	shalt  }
0x54: {  	_ =	shalt  }
0x55: {  	_ =	shalt  }
0x56: {  	_ =	shalt  }
0x57: {  	_ =	shalt  }
0x58: {  	_ =	shalt  }
0x59: {  	_ =	shalt  }
0x5a: {  	_ =	shalt  }
0x5b: {  	_ =	shalt  }
0x5c: {  	_ =	shalt  }
0x5d: {  	_ =	shalt  }
0x5e: {  	_ =	shalt  }
0x5f: {  	_ =	shalt  }
0x60: {  	_ =	shalt  }
0x61: {  	_ =	shalt  }
0x62: {  	_ =	shalt  }
0x63: {  	_ =	shalt  }
0x64: {  	_ =	shalt  }
0x65: {  	_ =	shalt  }
0x66: {  	_ =	shalt  }
0x67: {  	_ =	shalt  }
0x68: {  	_ =	shalt  }
0x69: {  	_ =	shalt  }
0x6a: {  	_ =	shalt  }
0x6b: {  	_ =	shalt  }
0x6c: {  	_ =	shalt  }
0x6d: {  	_ =	shalt  }
0x6e: {  	_ =	shalt  }
0x6f: {  	_ =	shalt  }
0x70: {  	_ =	shalt  }
0x71: {  	_ =	shalt  }
0x72: {  	_ =	shalt  }
0x73: {  	_ =	shalt  }
0x74: {  	_ =	shalt  }
0x75: {  	_ =	shalt  }
0x76: {  	_ =	shalt  }
0x77: {  	_ =	shalt  }
0x78: {  	_ =	shalt  }
0x79: {  	_ =	shalt  }
0x7a: {  	_ =	shalt  }
0x7b: {  	_ =	shalt  }
0x7c: {  	_ =	shalt  }
0x7d: {  	_ =	shalt  }
0x7e: {  	_ =	shalt  }
0x7f: {  	_ =	shalt  }
0x80: {  	_ =	shalt  }
0x81: {  	_ =	shalt  }
0x82: {  	_ =	shalt  }
0x83: {  	_ =	shalt  }
0x84: {  	_ =	shalt  }
0x85: {  	_ =	shalt  }
0x86: {  	_ =	shalt  }
0x87: {  	_ =	shalt  }
.Lfunc_end0:
.L_simem_size_0:
called_computation_lowered:
.L_overlay_start_0:
0x88: {  	s2 =	sld [smem:$0x3FD9]  }
0x89: {  	s3 =	sld [smem:$0x3FFE];
	_ =	sdelay $0x1  }
0x8a: {  	s1 =	srdreg.scid  }
0x8b: {  	s0 =	sand.u32 $0x1, s1  }
0x8c: {  	s17 =	sshll.u32 s0, $0xA;
	s2 =	sadd.s32 s3, s2  }
0x8d: {  	s2 =	sadd.s32 s2, s17  }
0x8e: {  	[smem:$0x3FC5] =	sst s2  }
0x8f: {  	_ = 	snop  }
0x90: {  	s2 =	sld [smem:$0x3FC7]  }
0x91: {  	s18 =	sld [smem:$0x3FD0];
	(tm) =	ssettm $0x1  }
0x92: {  	s4 =	sld [smem:$0x3FFB];
	_ =	sdelay $0x3  }
0x93: {  	_ =	strace s4  }
0x94: {  	s4 =	sld [smem:$0x3FFC];
	_ =	sdelay $0x3  }
0x95: {  	_ =	strace s4  }
0x96: {  	s4 =	sld [smem:$0x3FFD];
	_ =	sdelay $0x3  }
0x97: {  	_ =	strace s4  }
0x98: {  	_ =	strace $0x8FFFFFFF  }
0x99: {  	s19 =	sld [smem:$0x3FDB];
	_ =	sdelay $0x1  }
0x9a: {  	s5 =	simm.s32 $_scs_section_size  }
0x9b: {  	s6 =	simm.s32 $_size__tile_overlayer_lowered;
	s7 =	simm.s32 $_tile_overlayer_lowered  }
0x9c: {  	s22 =	simm.s32 $0x1BFF;
	s21 =	sshll.u32 s7, $0x1;
	s4 =	sadd.s32 s5, s19  }
0x9d: {  	s8 =	simm.s32 $0x0;
	s20 =	sshll.u32 s6, $0x1;
	s6 =	sadd.s32 s21, s4  }
0x9e: {  	[timem:s8], [sflag:s22] =	dma.local [hbm:s6], s20  }
0x9f: {  	_ =	swait.ge [sflag:s22], s20  }
0xa0: {  	s5 =	ssub.s32 $0x0, s20;
	[sflag:s22] =	ssyncset.done $0x0  }
0xa1: {  	[sflag:s22] =	ssyncadd.s32 s5;
	_ =	sdelay $0x1  }
0xa2: {  	s23 =	simm.s32 $0x1B8B  }
0xa3: {  	_ =	swait.ge [sflag:s23], $0x1  }
0xa4: {  	[sflag:s23] =	ssyncset.done $0x0  }
0xa5: {  	s25 =	simm.s32 $0x1B8E;
	s24 =	sld [smem:$0x3FFE];
	[sflag:s23] =	ssyncadd.s32 $0xFFFFFFFF  }
0xa6: {  	s26 =	simm.s32 $execute0_lowered;
	[smem:$0x3FD2] =	sst s25  }
0xa7: {  	s6 =	sshll.u32 s26, $0x1;
	_ =	strace $0x80000046;
	[dreg:$0x1] =	wrdreg $0xFFFFFFFF  }
0xa8: {  	s28 =	simm.s32 $_size_execute0_lowered;
	s4 =	sadd.s32 s4, s6;
	[dreg:$0x0] =	wrdreg $0x0  }
0xa9: {  	s6 =	sshll.u32 s28, $0x1;
	[dreg:$0x2] =	wrdreg s4  }
0xaa: {  	[dreg:$0x3] =	wrdreg s6  }
0xab: {  	[dreg:$0x4] =	wrdreg $0xC0  }
0xac: {  	_ =	task [dreg:s8], $0x5FFFF  }
0xad: {  	[dreg:$0x1] =	wrdreg $0xFFFFFFFF  }
0xae: {  	[dreg:$0x0] =	wrdreg $0x60  }
0xaf: {  	[dreg:$0x2] =	wrdreg s24  }
0xb0: {  	[dreg:$0x3] =	wrdreg s2  }
0xb1: {  	[dreg:$0x4] =	wrdreg s18  }
0xb2: {  	[dreg:$0x5] =	wrdreg $0x9  }
0xb3: {  	_ =	task.clear_ibuf [dreg:s8], $0x6FFFF;
	_ =	strace $0x90000046  }
0xb4: {  	s29 =	simm.s32 $0x9;
	_ =	strace $0x80000048  }
0xb5: {  	_ =	swait.ge [sflag:s29], $0x1  }
0xb6: {  	[sflag:s29] =	ssyncadd.s32 $0xFFFFFFFF  }
0xb7: {  	_ =	strace $0x90000048  }
0xb8: {  	_ =	sfence  }
0xb9: {  	s30 =	sld [smem:$0x0];
	_ =	sdelay $0x2  }
0xba: {  	s31 =	sshll.u32 s1, $0xD;
	s1 =	sshrl.u32 s1, $0x2  }
0xbb: {  	s3 =	sand.u32 $0x4000, s31;
	s1 =	sadd.s32 s1, s30  }
0xbc: {  	s0 =	sor.u32 s3, s0;
	s1 =	sshll.u32 s1, $0x11  }
0xbd: {  	s0 =	sor.u32 s1, s0  }
0xbe: {  	s0 =	sadd.s32 $0x8F2B, s0  }
0xbf: {  	[sflag:s0] =	ssyncadd.remote.s32 $0x1  }
0xc0: {  	_ =	sfence.sel $0xFFFF  }
0xc1: {  	[dreg:$0x0] =	wrdreg $0xFFFFFFFF;
	(pc) =	sbr.abs _section_cstart, $3  }
0xc2: {  	[dreg:$0x1] =	wrdreg $0xFFFFFFFF  }
0xc3: {  	_ =	task.clear_ibuf [dreg:s8], $0x2FFFF;
	_ =	strace $0x9FFFFFFF  }
0xc4: {  	(tm) =	ssettm $0x7FFFFFFF  }
0xc5: {  	_ =	shalt  }
tec
execute0_lowered:
.L_overlay_start_1:
0x0: {  	(tag) =	ssettag $0x1  }
0x1: {  	s0 =	rddreg [dreg:$0x0];
	s1 =	srdreg.scid  }
0x2: {  	s2 =	stileid.u32;
	s7 =	rddreg [dreg:$0x2];
	s3 =	simm.s32 $0x0  }
0x3: {  	s9 =	simm.s32 $0x12;
	s11 =	simm.s32 $0x80;
	s13 =	simm.s32 $0x48  }
0x4: {  	s22 =	simm.s32 $0xC380;
	s23 =	simm.s32 $0xAF0;
	s24 =	simm.s32 $0xC800  }
0x5: {  	s28 =	simm.s32 $0xBB8;
	s29 =	simm.s32 $0xD480;
	s30 =	simm.s32 $0xC38  }
0x6: {  	s31 =	simm.s32 $0xDC80;
	s1 =	sand.u32 $0x1, s1;
	s2 =	sshll.u32 s2, $0x1  }
0x7: {  	s10 =	simm.s32 $0x0;
	[smem:$0x7FF] =	sst s3;
	s2 =	sor.u32 s1, s2  }
0x8: {  	s1 =	ssub.s32 $0x2, s1;
	_ =	strace $0x80000047;
	s4 =	smul.u32 $0x1900, s2  }
0x9: {  	s5 =	sshrl.u32 s1, $0x1;
	s26 =	sshll.u32 s2, $0x6;
	s2 =	simm.s32 $0xE100  }
0xa: {  	s25 =	ssub.s32 s1, s5;
	s7 =	sadd.s32 s7, s26;
	s26 =	simm.s32 $0xD000  }
0xb: {  	s1 =	simm.s32 $0x11;
	s4 =	sshrl.u32 s4, $0x3;
	s8 =	smax.u32 s25, $0x1  }
0xc: {  	s25 =	simm.s32 $0xB70;
	s6 =	sadd.s32 s4, s0;
	s4 =	sadd.s32 $0x187000, s0  }
0xd: {  	s0 =	simm.s32 $0xE300;
	s5 =	sadd.s32 $0x600, s6;
	s6 =	sadd.s32 $0x790, s6  }
.LBB2_1:
0xe: {  	[tilespmem:s3], [sflag:$0x12] =	stream.linear.gather [hbm4b:s5+s3], $0xC80, $0x38;
	[tilespmem:$0xE310] =	vst v63  }
0xf: {  	_ =	swait.ge [sflag:s9], $0xC80  }
0x10: {  	[sflag:s9] =	ssyncset.done $0x0  }
0x11: {  	s12 =	simm.s32 $0xC80;
	[sflag:s9] =	ssyncadd.s32 $0xFFFFF380  }
0x12: {  	[tilespmem:s12], [sflag:$0x11] =	stream.linear.gather [hbm4b:s6+s3], $0xC80, $0x38;
	[tilespmem:$0xE310] =	vst v63  }
0x13: {  	s17 =	simm.s32 $0x1900  }
0x14: {  	[tilespmem:s17], [sflag:$0x1] =	stream.indirect.gather [hbm4b:s4+s11], $0x10, s3, s11, $0xb8;
	[tilespmem:$0xE310] =	vst v63  }
0x15: {  	s18 =	simm.s32 $0x2100  }
0x16: {  	[tilespmem:s18], [sflag:$0x1] =	stream.indirect.gather [hbm4b:s4+s13], $0x10, s11, s13, $0xb8;
	[tilespmem:$0xE310] =	vst v63  }
0x17: {  	s19 =	simm.s32 $0xC8;
	s14 =	simm.s32 $0x2580  }
0x18: {  	[tilespmem:s14], [sflag:$0x2] =	stream.indirect.gather [hbm4b:s4+s11], $0x10, s19, s11, $0xb8;
	[tilespmem:$0xE310] =	vst v63  }
0x19: {  	s20 =	simm.s32 $0x148;
	s21 =	simm.s32 $0x2D80  }
0x1a: {  	[tilespmem:s21], [sflag:$0x2] =	stream.indirect.gather [hbm4b:s4+s13], $0x10, s20, s13, $0xb8;
	[tilespmem:$0xE310] =	vst v63  }
0x1b: {  	s15 =	simm.s32 $0x3200;
	s14 =	simm.s32 $0x190  }
0x1c: {  	[tilespmem:s15], [sflag:$0x3] =	stream.indirect.gather [hbm4b:s4+s11], $0x10, s14, s11, $0xb8;
	[tilespmem:$0xE310] =	vst v63  }
0x1d: {  	s16 =	simm.s32 $0x210;
	s17 =	simm.s32 $0x3A00  }
0x1e: {  	[tilespmem:s17], [sflag:$0x3] =	stream.indirect.gather [hbm4b:s4+s13], $0x10, s16, s13, $0xb8;
	[tilespmem:$0xE310] =	vst v63  }
0x1f: {  	s18 =	simm.s32 $0x258;
	s19 =	simm.s32 $0x3E80  }
0x20: {  	[tilespmem:s19], [sflag:$0x4] =	stream.indirect.gather [hbm4b:s4+s11], $0x10, s18, s11, $0xb8;
	[tilespmem:$0xE310] =	vst v63  }
0x21: {  	s20 =	simm.s32 $0x2D8;
	s21 =	simm.s32 $0x4680  }
0x22: {  	[tilespmem:s21], [sflag:$0x4] =	stream.indirect.gather [hbm4b:s4+s13], $0x10, s20, s13, $0xb8;
	[tilespmem:$0xE310] =	vst v63  }
0x23: {  	s14 =	simm.s32 $0x320;
	s15 =	simm.s32 $0x4B00  }
0x24: {  	[tilespmem:s15], [sflag:$0x5] =	stream.indirect.gather [hbm4b:s4+s11], $0x10, s14, s11, $0xb8;
	[tilespmem:$0xE310] =	vst v63  }
0x25: {  	s16 =	simm.s32 $0x3A0;
	s17 =	simm.s32 $0x5300  }
0x26: {  	[tilespmem:s17], [sflag:$0x5] =	stream.indirect.gather [hbm4b:s4+s13], $0x10, s16, s13, $0xb8;
	[tilespmem:$0xE310] =	vst v63  }
0x27: {  	s18 =	simm.s32 $0x3E8;
	s19 =	simm.s32 $0x5780  }
0x28: {  	[tilespmem:s19], [sflag:$0x6] =	stream.indirect.gather [hbm4b:s4+s11], $0x10, s18, s11, $0xb8;
	[tilespmem:$0xE310] =	vst v63  }
0x29: {  	s20 =	simm.s32 $0x468;
	s21 =	simm.s32 $0x5F80  }
0x2a: {  	[tilespmem:s21], [sflag:$0x6] =	stream.indirect.gather [hbm4b:s4+s13], $0x10, s20, s13, $0xb8;
	[tilespmem:$0xE310] =	vst v63  }
0x2b: {  	s14 =	simm.s32 $0x4B0;
	s15 =	simm.s32 $0x6400  }
0x2c: {  	[tilespmem:s15], [sflag:$0x7] =	stream.indirect.gather [hbm4b:s4+s11], $0x10, s14, s11, $0xb8;
	[tilespmem:$0xE310] =	vst v63  }
0x2d: {  	s16 =	simm.s32 $0x530;
	s17 =	simm.s32 $0x6C00  }
0x2e: {  	[tilespmem:s17], [sflag:$0x7] =	stream.indirect.gather [hbm4b:s4+s13], $0x10, s16, s13, $0xb8;
	[tilespmem:$0xE310] =	vst v63  }
0x2f: {  	s18 =	simm.s32 $0x578;
	s19 =	simm.s32 $0x7080  }
0x30: {  	[tilespmem:s19], [sflag:$0x8] =	stream.indirect.gather [hbm4b:s4+s11], $0x10, s18, s11, $0xb8;
	[tilespmem:$0xE310] =	vst v63  }
0x31: {  	s20 =	simm.s32 $0x5F8;
	s21 =	simm.s32 $0x7880  }
0x32: {  	[tilespmem:s21], [sflag:$0x8] =	stream.indirect.gather [hbm4b:s4+s13], $0x10, s20, s13, $0xb8;
	[tilespmem:$0xE310] =	vst v63  }
0x33: {  	s14 =	simm.s32 $0x640;
	s15 =	simm.s32 $0x7D00  }
0x34: {  	[tilespmem:s15], [sflag:$0x9] =	stream.indirect.gather [hbm4b:s4+s11], $0x10, s14, s11, $0xb8;
	[tilespmem:$0xE310] =	vst v63  }
0x35: {  	s16 =	simm.s32 $0x6C0;
	s17 =	simm.s32 $0x8500  }
0x36: {  	[tilespmem:s17], [sflag:$0x9] =	stream.indirect.gather [hbm4b:s4+s13], $0x10, s16, s13, $0xb8;
	[tilespmem:$0xE310] =	vst v63  }
0x37: {  	s18 =	simm.s32 $0x708;
	s19 =	simm.s32 $0x8980  }
0x38: {  	[tilespmem:s19], [sflag:$0xA] =	stream.indirect.gather [hbm4b:s4+s11], $0x10, s18, s11, $0xb8;
	[tilespmem:$0xE310] =	vst v63  }
0x39: {  	s20 =	simm.s32 $0x788;
	s21 =	simm.s32 $0x9180  }
0x3a: {  	[tilespmem:s21], [sflag:$0xA] =	stream.indirect.gather [hbm4b:s4+s13], $0x10, s20, s13, $0xb8;
	[tilespmem:$0xE310] =	vst v63  }
0x3b: {  	s14 =	simm.s32 $0x7D0;
	s15 =	simm.s32 $0x9600  }
0x3c: {  	[tilespmem:s15], [sflag:$0xB] =	stream.indirect.gather [hbm4b:s4+s11], $0x10, s14, s11, $0xb8;
	[tilespmem:$0xE310] =	vst v63  }
0x3d: {  	s16 =	simm.s32 $0x850;
	s17 =	simm.s32 $0x9E00  }
0x3e: {  	[tilespmem:s17], [sflag:$0xB] =	stream.indirect.gather [hbm4b:s4+s13], $0x10, s16, s13, $0xb8;
	[tilespmem:$0xE310] =	vst v63  }
0x3f: {  	s18 =	simm.s32 $0x898;
	s19 =	simm.s32 $0xA280  }
0x40: {  	[tilespmem:s19], [sflag:$0xC] =	stream.indirect.gather [hbm4b:s4+s11], $0x10, s18, s11, $0xb8;
	[tilespmem:$0xE310] =	vst v63  }
0x41: {  	s20 =	simm.s32 $0x918;
	s21 =	simm.s32 $0xAA80  }
0x42: {  	[tilespmem:s21], [sflag:$0xC] =	stream.indirect.gather [hbm4b:s4+s13], $0x10, s20, s13, $0xb8;
	[tilespmem:$0xE310] =	vst v63  }
0x43: {  	s14 =	simm.s32 $0x960;
	s15 =	simm.s32 $0xAF00  }
0x44: {  	[tilespmem:s15], [sflag:$0xD] =	stream.indirect.gather [hbm4b:s4+s11], $0x10, s14, s11, $0xb8;
	[tilespmem:$0xE310] =	vst v63  }
0x45: {  	s16 =	simm.s32 $0x9E0;
	s17 =	simm.s32 $0xB700  }
0x46: {  	[tilespmem:s17], [sflag:$0xD] =	stream.indirect.gather [hbm4b:s4+s13], $0x10, s16, s13, $0xb8;
	[tilespmem:$0xE310] =	vst v63  }
0x47: {  	s18 =	simm.s32 $0xA28;
	s19 =	simm.s32 $0xBB80  }
0x48: {  	[tilespmem:s19], [sflag:$0xE] =	stream.indirect.gather [hbm4b:s4+s11], $0x10, s18, s11, $0xb8;
	[tilespmem:$0xE310] =	vst v63  }
0x49: {  	s20 =	simm.s32 $0xAA8  }
0x4a: {  	[tilespmem:s22], [sflag:$0xE] =	stream.indirect.gather [hbm4b:s4+s13], $0x10, s20, s13, $0xb8;
	[tilespmem:$0xE310] =	vst v63  }
0x4b: {  	_ = 	snop  }
0x4c: {  	[tilespmem:s24], [sflag:$0xF] =	stream.indirect.gather [hbm4b:s4+s11], $0x10, s23, s11, $0xb8;
	[tilespmem:$0xE310] =	vst v63  }
0x4d: {  	_ = 	snop  }
0x4e: {  	[tilespmem:s26], [sflag:$0xF] =	stream.indirect.gather [hbm4b:s4+s13], $0x10, s25, s13, $0xb8;
	[tilespmem:$0xE310] =	vst v63  }
0x4f: {  	_ = 	snop  }
0x50: {  	[tilespmem:s29], [sflag:$0x10] =	stream.indirect.gather [hbm4b:s4+s11], $0x10, s28, s11, $0xb8;
	[tilespmem:$0xE310] =	vst v63  }
0x51: {  	_ = 	snop  }
0x52: {  	[tilespmem:s31], [sflag:$0x10] =	stream.indirect.gather [hbm4b:s4+s13], $0x10, s30, s13, $0xb8;
	[tilespmem:$0xE310] =	vst v63  }
0x53: {  	_ =	swait.ge [sflag:s1], $0xC80  }
0x54: {  	[sflag:s1] =	ssyncset.done $0x0  }
0x55: {  	[sflag:s1] =	ssyncadd.s32 $0xFFFFF380  }
0x56: {  	s21 =	rddreg [dreg:$0x1]  }
0x57: {  	[tilespmem:s0], [sflag:$0x11] =	stream.linear.gather [hbm4b:s21+s3], $0x10, $0x38;
	[tilespmem:$0xE310] =	vst v63  }
0x58: {  	_ =	swait.ge [sflag:s1], $0x10  }
0x59: {  	[sflag:s1] =	ssyncset.done $0x0  }
0x5a: {  	s12 =	simm.s32 $0x0;
	s14 =	simm.s32 $0x0;
	[sflag:s1] =	ssyncadd.s32 $0xFFFFFFF0  }
.LBB2_2:
0x5b: {  	s15 =	sand.u32 $0xF, s14  }
0x5c: {  	s17 =	sand.u32 $0xF, s12;
	s16 =	sadd.s32 $0x1, s15  }
0x5d: {  	p0 =	sgt.u32 s14, $0xF;
	s17 =	smul.u32 $0x3200, s17;
	_ =	swait.ge [sflag:s16], $0x800  }
0x5e: {  	s18 =	smul.u32 @!p0 $0x320, s14;
	[sflag:s16] =	ssyncset.done $0x0  }
0x5f: {  	s15 =	smul.u32 $0xC80, s15;
	[sflag:s16] =	ssyncadd.s32 $0xFFFFF800  }
0x60: {  	s21 =	simm.s32 @!p0 $0x80;
	s17 =	sshrl.u32 s17, $0x2;
	_ =	swait.ge [sflag:s16], $0x480  }
0x61: {  	s18 =	sshra.s32 @!p0 s18, $0x2;
	s17 =	sadd.s32 $0x1940, s17;
	[sflag:s16] =	ssyncset.done $0x0  }
0x62: {  	s19 =	sadd.s32 @!p0 $0x1900, s15;
	s20 =	sadd.s32 @!p0 $0xC80, s18;
	v0 =	vmov s17;
	[sflag:s16] =	ssyncadd.s32 $0xFFFFFB80  }
0x63: {  	[tilespmem:s19], [sflag:s16] =	stream.indirect.gather @!p0 [hbm4b:s4+s21], $0x10, s20, s21, $0xb8;
	[tilespmem:$0xE310] =	vst v63  }
0x64: {  	s15 =	sadd.s32 @!p0 $0x2100, s15;
	s17 =	sadd.s32 @!p0 $0xD00, s18;
	s18 =	simm.s32 @!p0 $0x48  }
0x65: {  	[tilespmem:s15], [sflag:s16] =	stream.indirect.gather @!p0 [hbm4b:s4+s18], $0x10, s17, s18, $0xb8;
	[tilespmem:$0xE310] =	vst v63  }
0x66: {  	s21 =	simm.s32 $0x0;
	v2 =	vld [tilespmem:$0xE300]  }
0x67: {  	v1 =	vld.idx.msk [tilespmem:v0+s21+$0x30 ss:$0x1], $0xffff  }
0x68: {  	v5 =	vld.idx.msk [tilespmem:v0+s21+$0xFFFFFFC0 ss:$0x1], $0xffff  }
0x69: {  	v12 =	vld.idx.msk [tilespmem:v0+s21+$0xFFFFFFD0 ss:$0x1], $0xffff  }
0x6a: {  	v13 =	vld.idx.msk [tilespmem:v0+s21+$0xFFFFFFE0 ss:$0x1], $0xffff  }
0x6b: {  	v8 =	vld.idx.msk [tilespmem:v0+s21+$0xFFFFFFF0 ss:$0x1], $0xffff  }
0x6c: {  	v7 =	vimm.f32 $0.0e+00;
	v14 =	vimm.f32 $0.0e+00;
	v4 =	vld.idx.msk [tilespmem:v0+s21+$0x0 ss:$0x1], $0xffff  }
0x6d: {  	v9 =	vimm.f32 $0.0e+00;
	v10 =	vimm.f32 $0.0e+00;
	v6 =	vimm.f32 $0.0e+00;
	v3 =	vld.idx.msk [tilespmem:v0+s21+$0x10 ss:$0x1], $0xffff  }
0x6e: {  	s15 =	simm.s32 $0x80;
	s16 =	simm.s32 $0x400;
	v1 =	vadd.f32 v1, v7;
	v11 =	vadd.f32 v5, v2;
	v5 =	vld.idx.msk [tilespmem:v0+s21+$0x20 ss:$0x1], $0xffff;
	v2 =	vimm.f32 $0.0e+00  }
.LBB2_3:
0x6f: {  	p0 =	sne.s32 s16, $0x3000;
	v15 =	vld.idx.msk [tilespmem:v0+s15+$0x30 ss:$0x1], $0xffff;
	v7 =	vadd.f32 v12, v7  }
0x70: {  	v14 =	vadd.f32 v13, v14;
	v16 =	vld.idx.msk [tilespmem:v0+s15+$0xFFFFFFC0 ss:$0x1], $0xffff  }
0x71: {  	v9 =	vadd.f32 v8, v9;
	v12 =	vld.idx.msk [tilespmem:v0+s15+$0xFFFFFFD0 ss:$0x1], $0xffff  }
.Ltmp0:
0x72: {  	v10 =	vadd.f32 v4, v10;
	v13 =	vld.idx.msk [tilespmem:v0+s15+$0xFFFFFFE0 ss:$0x1], $0xffff;
	(pc) =	sbr.rel @p0 .LBB2_3-.Ltmp0, $4  }
0x73: {  	v6 =	vadd.f32 v3, v6;
	v8 =	vld.idx.msk [tilespmem:v0+s15+$0xFFFFFFF0 ss:$0x1], $0xffff  }
0x74: {  	v2 =	vadd.f32 v5, v2;
	v4 =	vld.idx.msk [tilespmem:v0+s15+$0x0 ss:$0x1], $0xffff  }
0x75: {  	v1 =	vadd.f32 v15, v1;
	v3 =	vld.idx.msk [tilespmem:v0+s15+$0x10 ss:$0x1], $0xffff  }
0x76: {  	v11 =	vadd.f32 v16, v11;
	v5 =	vld.idx.msk [tilespmem:v0+s15+$0x20 ss:$0x1], $0xffff;
	s15 =	sshra.s32 s16, $0x2;
	s16 =	sadd.s32 $0x200, s16  }
0x77: {  	_ =	sdelay $0x3  }
0x78: {  	v15 =	vld.idx.msk [tilespmem:v0+s15+$0xFFFFFFC0 ss:$0x1], $0xffff  }
0x79: {  	v16 =	vld.idx.msk [tilespmem:v0+s15+$0xFFFFFFD0 ss:$0x1], $0xffff;
	_ =	sdelay $0x1  }
0x7a: {  	v17 =	vld.idx.msk [tilespmem:v0+s15+$0xFFFFFFE0 ss:$0x1], $0xffff  }
0x7b: {  	v7 =	vadd.f32 v12, v7  }
0x7c: {  	v57 =	vadd.f32 v13, v14;
	v58 =	vld.idx.msk [tilespmem:v0+s15+$0xFFFFFFF0 ss:$0x1], $0xffff  }
0x7d: {  	v11 =	vadd.f32 v15, v11;
	v7 =	vadd.f32 v16, v7  }
0x7e: {  	v59 =	vld.idx.msk [tilespmem:v0+s15+$0x0 ss:$0x1], $0xffff;
	v8 =	vadd.f32 v8, v9  }
0x7f: {  	v12 =	vadd.f32 v17, v57;
	v7 =	vadd.f32 v7, v11  }
0x80: {  	v60 =	vld.idx.msk [tilespmem:v0+s15+$0x10 ss:$0x1], $0xffff;
	v4 =	vadd.f32 v4, v10  }
0x81: {  	v8 =	vadd.f32 v58, v8;
	v7 =	vadd.f32 v12, v7  }
0x82: {  	v61 =	vld.idx.msk [tilespmem:v0+s15+$0x20 ss:$0x1], $0xffff;
	v3 =	vadd.f32 v3, v6  }
0x83: {  	v4 =	vadd.f32 v59, v4;
	v7 =	vadd.f32 v8, v7  }
0x84: {  	v62 =	vld.idx.msk [tilespmem:v0+s15+$0x30 ss:$0x1], $0xffff;
	v2 =	vadd.f32 v5, v2  }
0x85: {  	v3 =	vadd.f32 v60, v3;
	v4 =	vadd.f32 v4, v7;
	_ =	sdelay $0x1  }
0x86: {  	s21 =	sshll.u32 s14, $0x4;
	s14 =	sadd.s32 $0x1, s14;
	v2 =	vadd.f32 v61, v2;
	v3 =	vadd.f32 v3, v4  }
0x87: {  	p0 =	sne.s32 s14, $0x20  }
.Ltmp1:
0x88: {  	v0 =	vadd.f32 v62, v1;
	v63 =	vadd.f32 v2, v3;
	(pc) =	sbr.rel @p0 .LBB2_2-.Ltmp1, $4  }
0x89: {  	_ = 	snop  }
0x8a: {  	v0 =	vadd.f32 v0, v63  }
0x8b: {  	s15 =	sand.u32 $0x3FFFFFF0, s21  }
0x8c: {  	s12 =	sadd.s32 $0x1, s12;
	[tilespmem:s15+$0xE100] =	vst v0  }
0x8d: {  	s10 =	sadd.s32 $0x1, s10  }
0x8e: {  	p0 =	sne.s32 s10, s8  }
.Ltmp2:
0x8f: {  	_ = 	snop;
	(pc) =	sbr.rel @p0 .LBB2_1-.Ltmp2, $4  }
0x90: {  	[hbm4b:s7+s3] =	stream.linear.scatter [tilespmem:s2], [sflag:$0x12], $0x200, $0x38;
	[tilespmem:$0xE310] =	vst v63  }
0x91: {  	_ =	swait.ge [sflag:s9], $0x200  }
0x92: {  	[sflag:s9] =	ssyncset.done $0x0  }
0x93: {  	[sflag:s9] =	ssyncadd.s32 $0xFFFFFE00  }
0x94: {  	_ =	sfence.sel $0x180000  }
0x95: {  	[bflag:$0x0] =	sbarrier.arrive $0xFFFF  }
0x96: {  	_ =	strace $0x90000047  }
0x97: {  	s0 =	stileid.u32;
	[bflag:$0x2] =	sbarrier.arrive $0xFFFF  }
0x98: {  	p0 =	sne.s32 s0, $0x0;
	s0 =	rddreg [dreg:$0x3]  }
0x99: {  	s0 =	sadd.s32 @!p0 $0x100000, s0  }
0x9a: {  	[sflag:s0] =	ssyncadd.tile.s32 @!p0 $0x1;
	_ =	shalt  }
.Lfunc_end2:
_tile_overlayer_lowered:
.L_overlay_start_2:
0x9b: {  	(tag) =	ssettag $0x2  }
0x9c: {  	s0 =	rddreg [dreg:$0x0];
	s2 =	stileid.u32  }
0x9d: {  	s1 =	rddreg [dreg:$0x1];
	p0 =	sne.s32 s2, $0x0  }
0x9e: {  	s3 =	rddreg [dreg:$0x2];
	[bflag:$0x3] =	sbarrier.arrive $0xFFFF;
	s2 =	simm.s32 @!p0 $0x1C12  }
0x9f: {  	[timem:s3], [sflag:s2] =	dma.local @!p0 [hbm:s0], s1  }
0xa0: {  	s0 =	simm.s32 @!p0 $0x12  }
0xa1: {  	_ =	swait.ge @!p0 [sflag:s0], s1  }
0xa2: {  	s1 =	ssub.s32 @!p0 $0x0, s1;
	[sflag:s0] =	ssyncset.done @!p0 $0x0  }
0xa3: {  	[sflag:s0] =	ssyncadd.s32 @!p0 s1  }
0xa4: {  	[bflag:$0x3] =	sbarrier.arrive $0xFFFF  }
0xa5: {  	_ =	shalt  }

</sc_bundles>
